<compile_context>
chip_gen: v7x
topology: tpu7x:2x2x1
jax: 0.10.2.dev20260603
libtpu: 0.0.44.dev20260713+nightly
codegen_flags: <defaults>
</compile_context>

<pallas_src>
import functools

import jax
import jax.numpy as jnp
from jax import lax
from jax.experimental import pallas as pl
from jax.experimental.pallas import tpu as pltpu
from jax.experimental.pallas import tpu_sc as plsc

NUM_USER = 100000
NUM_ITEMS = 100000
LD = 16
CD = 32
FD = 64
B, J, K = 1024, 20, 50
JK = J * K
N_TOT = B * JK
HB = JK // 2
N_PK = N_TOT // 2

NC, NS = 2, 16
NW = NC * NS
PER_W = N_TOT // NW
SUB = (128, 128, 128, 128, 128)
GROUP = sum(SUB)
N_GROUPS = PER_W // GROUP
U_PER_W = B // NW

BB = 16


def _sc_gather(table, flat_idx):
    mesh = plsc.VectorSubcoreMesh(core_axis_name="c", subcore_axis_name="s")

    @functools.partial(
        pl.kernel,
        out_type=jax.ShapeDtypeStruct((N_TOT, FD), jnp.float32),
        mesh=mesh,
        scratch_types=[
            pltpu.VMEM((PER_W,), jnp.int32),
            pltpu.VMEM((2, GROUP, FD), jnp.float32),
            pltpu.SemaphoreType.DMA,
            pltpu.SemaphoreType.DMA,
            pltpu.SemaphoreType.DMA,
            pltpu.SemaphoreType.DMA,
        ],
        compiler_params=pltpu.CompilerParams(use_tc_tiling_on_sc=False),
    )
    def gather_kernel(table_hbm, idx_hbm, out_hbm,
                      idx_v, rows_v, gsem0, gsem1, wsem0, wsem1):
        wid = lax.axis_index("s") * NC + lax.axis_index("c")
        gsems = (gsem0, gsem1)
        wsems = (wsem0, wsem1)

        wbase = pl.multiple_of(wid * PER_W, 8)
        pltpu.sync_copy(idx_hbm.at[pl.ds(wbase, PER_W)], idx_v)

        def issue_gather(g, s):
            off = 0
            for n in SUB:
                goff = pl.multiple_of(g * GROUP + off, 8)
                sl = idx_v.at[pl.ds(goff, n)]
                pltpu.async_copy(table_hbm.at[sl],
                                 rows_v.at[s, pl.ds(off, n)],
                                 gsems[s])
                off += n

        def drain_gather(s):
            pltpu.make_async_copy(table_hbm.at[pl.ds(0, GROUP)], rows_v.at[s],
                                  gsems[s]).wait()

        def issue_writeback(g, s):
            base = pl.multiple_of(wbase + g * GROUP, 8)
            pltpu.async_copy(rows_v.at[s], out_hbm.at[pl.ds(base, GROUP)],
                             wsems[s])

        def drain_writeback(s):
            pltpu.make_async_copy(table_hbm.at[pl.ds(0, GROUP)], rows_v.at[s],
                                  wsems[s]).wait()

        issue_gather(0, 0)

        def body(t, carry):
            for s in range(2):
                g = t * 2 + s
                drain_gather(s)
                issue_writeback(g, s)

                @pl.when(jnp.logical_and(g >= 1, g < N_GROUPS - 1))
                def _():
                    drain_writeback(1 - s)

                @pl.when(g < N_GROUPS - 1)
                def _():
                    issue_gather(g + 1, 1 - s)

            return carry

        lax.fori_loop(0, N_GROUPS // 2, body, 0)
        drain_writeback(0)
        drain_writeback(1)

    return gather_kernel(table, flat_idx)


def _sc_gather_u(u_flat, user_idx):
    mesh = plsc.VectorSubcoreMesh(core_axis_name="c", subcore_axis_name="s")

    @functools.partial(
        pl.kernel,
        out_type=jax.ShapeDtypeStruct((B, LD * CD), jnp.float32),
        mesh=mesh,
        scratch_types=[
            pltpu.VMEM((U_PER_W,), jnp.int32),
            pltpu.VMEM((U_PER_W, LD * CD), jnp.float32),
            pltpu.SemaphoreType.DMA,
        ],
    )
    def u_kernel(u_hbm, uidx_hbm, usel_hbm, uidx_v, urows_v, sem):
        wid = lax.axis_index("s") * NC + lax.axis_index("c")
        ubase = pl.multiple_of(wid * U_PER_W, 8)
        pltpu.sync_copy(uidx_hbm.at[pl.ds(ubase, U_PER_W)], uidx_v)
        pltpu.async_copy(u_hbm.at[uidx_v], urows_v, sem).wait()
        pltpu.sync_copy(urows_v, usel_hbm.at[pl.ds(ubase, U_PER_W)])

    return u_kernel(u_flat, user_idx)


def _tc_compute(gpk, mp, u_selT):
    def body(g_ref, mp_ref, u_ref, out_ref):
        rows_j = lax.broadcasted_iota(jnp.int32, (HB, J), 0) // (K // 2)
        cols_j = lax.broadcasted_iota(jnp.int32, (HB, J), 1)
        expand = (rows_j == cols_j).astype(jnp.float32)
        lane = lax.broadcasted_iota(jnp.int32, (128, 2), 0)
        half = lax.broadcasted_iota(jnp.int32, (128, 2), 1)
        sel = jnp.logical_and(lane >= half * FD,
                              lane < half * FD + LD).astype(jnp.float32)
        zc = jnp.zeros((J, FD - LD), jnp.float32)
        zr0 = jnp.zeros((LD, 128), jnp.float32)
        zr1 = jnp.zeros((FD - LD - CD, 128), jnp.float32)
        zc_u = jnp.zeros((CD, FD - LD), jnp.float32)
        for b in range(BB):
            gb = g_ref[pl.ds(b * HB, HB), :]
            ut = u_ref[b]
            utw0 = jnp.concatenate([ut, zc_u, jnp.zeros((CD, FD), jnp.float32)],
                                   axis=1)
            utw1 = jnp.concatenate([jnp.zeros((CD, FD), jnp.float32), ut, zc_u],
                                   axis=1)
            w = jnp.concatenate([zr0, utw0, zr1, zr0, utw1, zr1], axis=0)
            mp2 = jnp.concatenate([mp_ref[b], zc, mp_ref[b], zc], axis=1)
            mpr_full = jnp.dot(expand, mp2,
                               preferred_element_type=jnp.float32)
            m_full = jnp.dot(gb, w, preferred_element_type=jnp.float32)
            t_full = gb * mpr_full
            prod = t_full * m_full
            nums = jnp.dot(prod, sel, preferred_element_type=jnp.float32)
            dens = jnp.dot(t_full, sel, preferred_element_type=jnp.float32)
            out_ref[b] = nums / dens

    return pl.pallas_call(
        body,
        out_shape=jax.ShapeDtypeStruct((B, HB, 2), jnp.float32),
        grid=(B // BB,),
        in_specs=[
            pl.BlockSpec((BB * HB, 128), lambda i: (i, 0)),
            pl.BlockSpec((BB, J, LD), lambda i: (i, 0, 0)),
            pl.BlockSpec((BB, CD, LD), lambda i: (i, 0, 0)),
        ],
        out_specs=pl.BlockSpec((BB, HB, 2), lambda i: (i, 0, 0)),
    )(gpk, mp, u_selT)


def kernel(user_idx, motivation_proportion, user_purchase, beta,
           character_vector, u):
    pad = jnp.zeros((NUM_ITEMS, FD - LD - CD), jnp.float32)
    table = jnp.concatenate([beta.T, character_vector, pad], axis=1)
    flat_idx = user_purchase.reshape(N_TOT).astype(jnp.int32)
    u_flat = u.reshape(NUM_USER, LD * CD)
    gpk = _sc_gather(table, flat_idx).reshape(N_PK, 128)
    u_sel = _sc_gather_u(u_flat, user_idx.astype(jnp.int32))
    u_selT = u_sel.reshape(B, LD, CD).transpose(0, 2, 1)
    out = _tc_compute(gpk, motivation_proportion, u_selT)
    return out.reshape(B, J, K)

# --- scband reference (transcript-rebuilt; emitter-appended) ---
"""Pipeline reference for scband-complete-rating-network-21079699489325 (READ-ONLY COPY).

The authoritative reference and input builder live on the scoring server;
editing this copy changes nothing except your own understanding.
"""

import jax, jax.numpy as jnp
import numpy as np

NUM_USER = 100000
LATENT_DIM = 16
CHARACTER_DIM = 32
NUM_ITEMS = 100000
B, J, K = 1024, 20, 50


def setup_inputs(seed: int = 0) -> dict:
    key = jax.random.key(seed)
    k1, k2, k3, k4, k5, k6 = jax.random.split(key, 6)
    user_idx = jax.random.randint(k1, (B,), 0, NUM_USER)
    motivation_proportion = jax.random.uniform(k2, (B, J, LATENT_DIM), dtype=jnp.float32)
    user_purchase = jax.random.randint(k3, (B, J, K), 0, NUM_ITEMS)
    beta = jax.random.uniform(k4, (LATENT_DIM, NUM_ITEMS), dtype=jnp.float32)
    character_vector = jax.random.normal(k5, (NUM_ITEMS, CHARACTER_DIM), dtype=jnp.float32)
    u = jax.random.normal(k6, (NUM_USER, LATENT_DIM, CHARACTER_DIM), dtype=jnp.float32)
    return {
        'user_idx': user_idx,
        'motivation_proportion': motivation_proportion,
        'user_purchase': user_purchase,
        'beta': beta,
        'character_vector': character_vector,
        'u': u,
    }


def reference(user_idx, motivation_proportion, user_purchase, beta, character_vector, u):
    # likelihood = beta.T[user_purchase]  -> [B, J, K, latent_dim]
    likelihood = jnp.take(beta.T, user_purchase, axis=0)
    # posterior = motivation_proportion.unsqueeze(-2) * likelihood
    posterior = motivation_proportion[:, :, None, :] * likelihood
    norm_posterior = posterior / jnp.sum(posterior, axis=-1, keepdims=True)
    # u_sel = self.u[user_idx]  -> [B, latent_dim, character_dim]
    u_sel = jnp.take(u, user_idx, axis=0)
    weighted_u = jnp.einsum('ijkp,ipl->ijkl', norm_posterior, u_sel)
    # select_character = character_vector[user_purchase] -> [B, J, K, character_dim]
    select_character = jnp.take(character_vector, user_purchase, axis=0)
    inferred_rating = jnp.sum(weighted_u * select_character, axis=-1)
    return inferred_rating

if __name__ == "__main__":
    import jax
    _d = setup_inputs()
    print(jax.jit(kernel)(*tuple(_d.values())))

</pallas_src>

<mosaic_0001>
#map = affine_map<(d0, d1) -> (0, 0)>
#map1 = affine_map<(d0, d1) -> (0)>
module attributes {stable_mosaic.version = 14 : i64} {
  func.func @u_kernel(%arg0: i32, %arg1: i32, %arg2: memref<100000x512xf32, #tpu.memory_space<hbm>>, %arg3: memref<1024xi32, #tpu.memory_space<hbm>>, %arg4: memref<1024x512xf32, #tpu.memory_space<hbm>>, %arg5: memref<32xi32, #tpu.memory_space<vmem>>, %arg6: memref<32x512xf32, #tpu.memory_space<vmem>>, %arg7: memref<!tpu.dma_semaphore, #tpu.memory_space<semaphore_mem>>) attributes {dimension_semantics = [#tpu.dimension_semantics<core_parallel>, #tpu.dimension_semantics<subcore_parallel>], iteration_bounds = array<i64: 2, 16>, scalar_prefetch = 0 : i64, scratch_operands = 3 : i64, tpu.core_type = #tpu.core_type<sc_vector_subcore>, window_params = [{transform_indices = #map}, {transform_indices = #map1}, {transform_indices = #map}]} {
    %mul3A = arith.constant 2 : i32
    %mul3A_0 = arith.muli %arg1, %mul3A : i32
    %add3A = arith.addi %mul3A_0, %arg0 : i32
    %mul3A_1 = arith.constant 32 : i32
    %mul3A_2 = arith.muli %add3A, %mul3A_1 : i32
    %multiple_of3A = tpu.assume_multiple %mul3A_2, 8 : i32
    "tpu.region"() ({
      %run_scoped3A = tpu.sem_alloc : memref<!tpu.dma_semaphore, #tpu.memory_space<semaphore_mem>>
      %dma_start3A_7 = tpu.memref_slice %arg3[%multiple_of3A] : memref<1024xi32, #tpu.memory_space<hbm>> -> memref<32xi32, #tpu.memory_space<hbm>>
      %dma_start3A_8 = tpu.memref_slice %arg3[%multiple_of3A] : memref<1024xi32, #tpu.memory_space<hbm>> -> memref<32xi32, #tpu.memory_space<hbm>>
      tpu.enqueue_dma source(%dma_start3A_8 : memref<32xi32, #tpu.memory_space<hbm>>) target(%arg5 : memref<32xi32, #tpu.memory_space<vmem>>) target_semaphore(%run_scoped3A : memref<!tpu.dma_semaphore, #tpu.memory_space<semaphore_mem>>)
      %dma_wait3A_9 = tpu.memref_slice %arg3[%multiple_of3A] : memref<1024xi32, #tpu.memory_space<hbm>> -> memref<32xi32, #tpu.memory_space<hbm>>
      %dma_wait3A_10 = tpu.memref_slice %arg3[%multiple_of3A] : memref<1024xi32, #tpu.memory_space<hbm>> -> memref<32xi32, #tpu.memory_space<hbm>>
      tpu.wait_dma2 semaphore(%run_scoped3A : memref<!tpu.dma_semaphore, #tpu.memory_space<semaphore_mem>>) src(%dma_wait3A_10 : memref<32xi32, #tpu.memory_space<hbm>>) dst(%arg5 : memref<32xi32, #tpu.memory_space<vmem>>)
      tpu.yield
    }) : () -> ()
    %dma_start3A = arith.constant 0 : i32
    %dma_start3A_3 = arith.constant 0 : i32
    %dma_start3A_4 = tpu.memref_slice %arg2[%dma_start3A, %dma_start3A_3] : memref<100000x512xf32, #tpu.memory_space<hbm>> -> memref<100000x512xf32, #tpu.memory_space<hbm>>
    tpu.enqueue_indirect_dma source(%dma_start3A_4 : memref<100000x512xf32, #tpu.memory_space<hbm>>) target(%arg6 : memref<32x512xf32, #tpu.memory_space<vmem>>) offsets(%arg5 : memref<32xi32, #tpu.memory_space<vmem>>) semaphore(%arg7 : memref<!tpu.dma_semaphore, #tpu.memory_space<semaphore_mem>>)
    %dma_wait3A = arith.constant 0 : i32
    %dma_wait3A_5 = arith.constant 0 : i32
    %dma_wait3A_6 = tpu.memref_slice %arg2[%dma_wait3A, %dma_wait3A_5] : memref<100000x512xf32, #tpu.memory_space<hbm>> -> memref<100000x512xf32, #tpu.memory_space<hbm>>
    tpu.wait_indirect_dma semaphore(%arg7 : memref<!tpu.dma_semaphore, #tpu.memory_space<semaphore_mem>>) src(%dma_wait3A_6 : memref<100000x512xf32, #tpu.memory_space<hbm>>) dst(%arg6 : memref<32x512xf32, #tpu.memory_space<vmem>>)
    "tpu.region"() ({
      %run_scoped3A = tpu.sem_alloc : memref<!tpu.dma_semaphore, #tpu.memory_space<semaphore_mem>>
      %dma_start3A_7 = arith.constant 0 : i32
      %dma_start3A_8 = tpu.memref_slice %arg4[%multiple_of3A, %dma_start3A_7] : memref<1024x512xf32, #tpu.memory_space<hbm>> -> memref<32x512xf32, #tpu.memory_space<hbm>>
      %dma_start3A_9 = arith.constant 0 : i32
      %dma_start3A_10 = tpu.memref_slice %arg4[%multiple_of3A, %dma_start3A_9] : memref<1024x512xf32, #tpu.memory_space<hbm>> -> memref<32x512xf32, #tpu.memory_space<hbm>>
      tpu.enqueue_dma source(%arg6 : memref<32x512xf32, #tpu.memory_space<vmem>>) target(%dma_start3A_10 : memref<32x512xf32, #tpu.memory_space<hbm>>) target_semaphore(%run_scoped3A : memref<!tpu.dma_semaphore, #tpu.memory_space<semaphore_mem>>)
      %dma_wait3A_11 = arith.constant 0 : i32
      %dma_wait3A_12 = tpu.memref_slice %arg4[%multiple_of3A, %dma_wait3A_11] : memref<1024x512xf32, #tpu.memory_space<hbm>> -> memref<32x512xf32, #tpu.memory_space<hbm>>
      %dma_wait3A_13 = arith.constant 0 : i32
      %dma_wait3A_14 = tpu.memref_slice %arg4[%multiple_of3A, %dma_wait3A_13] : memref<1024x512xf32, #tpu.memory_space<hbm>> -> memref<32x512xf32, #tpu.memory_space<hbm>>
      tpu.wait_dma2 semaphore(%run_scoped3A : memref<!tpu.dma_semaphore, #tpu.memory_space<semaphore_mem>>) src(%arg6 : memref<32x512xf32, #tpu.memory_space<vmem>>) dst(%dma_wait3A_14 : memref<32x512xf32, #tpu.memory_space<hbm>>)
      tpu.yield
    }) : () -> ()
    return
  }
}

#map = affine_map<(d0, d1) -> (0, 0)>
#map1 = affine_map<(d0, d1) -> (0)>
module attributes {stable_mosaic.version = 14 : i64} {
  func.func @gather_kernel(%arg0: i32, %arg1: i32, %arg2: memref<100000x64xf32, #tpu.memory_space<hbm>>, %arg3: memref<1024000xi32, #tpu.memory_space<hbm>>, %arg4: memref<1024000x64xf32, #tpu.memory_space<hbm>>, %arg5: memref<32000xi32, #tpu.memory_space<vmem>>, %arg6: memref<2x640x64xf32, #tpu.memory_space<vmem>>, %arg7: memref<!tpu.dma_semaphore, #tpu.memory_space<semaphore_mem>>, %arg8: memref<!tpu.dma_semaphore, #tpu.memory_space<semaphore_mem>>, %arg9: memref<!tpu.dma_semaphore, #tpu.memory_space<semaphore_mem>>, %arg10: memref<!tpu.dma_semaphore, #tpu.memory_space<semaphore_mem>>) attributes {dimension_semantics = [#tpu.dimension_semantics<core_parallel>, #tpu.dimension_semantics<subcore_parallel>], iteration_bounds = array<i64: 2, 16>, scalar_prefetch = 0 : i64, scratch_operands = 6 : i64, tpu.core_type = #tpu.core_type<sc_vector_subcore>, window_params = [{transform_indices = #map}, {transform_indices = #map1}, {transform_indices = #map}]} {
    %mul3A = arith.constant 2 : i32
    %mul3A_0 = arith.muli %arg1, %mul3A : i32
    %add3A = arith.addi %mul3A_0, %arg0 : i32
    %mul3A_1 = arith.constant 32000 : i32
    %mul3A_2 = arith.muli %add3A, %mul3A_1 : i32
    %multiple_of3A = tpu.assume_multiple %mul3A_2, 8 : i32
    "tpu.region"() ({
      %run_scoped3A = tpu.sem_alloc : memref<!tpu.dma_semaphore, #tpu.memory_space<semaphore_mem>>
      %dma_start3A_91 = tpu.memref_slice %arg3[%multiple_of3A] : memref<1024000xi32, #tpu.memory_space<hbm>> -> memref<32000xi32, #tpu.memory_space<hbm>>
      %dma_start3A_92 = tpu.memref_slice %arg3[%multiple_of3A] : memref<1024000xi32, #tpu.memory_space<hbm>> -> memref<32000xi32, #tpu.memory_space<hbm>>
      tpu.enqueue_dma source(%dma_start3A_92 : memref<32000xi32, #tpu.memory_space<hbm>>) target(%arg5 : memref<32000xi32, #tpu.memory_space<vmem>>) target_semaphore(%run_scoped3A : memref<!tpu.dma_semaphore, #tpu.memory_space<semaphore_mem>>)
      %dma_wait3A_93 = tpu.memref_slice %arg3[%multiple_of3A] : memref<1024000xi32, #tpu.memory_space<hbm>> -> memref<32000xi32, #tpu.memory_space<hbm>>
      %dma_wait3A_94 = tpu.memref_slice %arg3[%multiple_of3A] : memref<1024000xi32, #tpu.memory_space<hbm>> -> memref<32000xi32, #tpu.memory_space<hbm>>
      tpu.wait_dma2 semaphore(%run_scoped3A : memref<!tpu.dma_semaphore, #tpu.memory_space<semaphore_mem>>) src(%dma_wait3A_94 : memref<32000xi32, #tpu.memory_space<hbm>>) dst(%arg5 : memref<32000xi32, #tpu.memory_space<vmem>>)
      tpu.yield
    }) : () -> ()
    %multiple_of3A_3 = arith.constant 0 : i32
    %multiple_of3A_4 = tpu.assume_multiple %multiple_of3A_3, 8 : i32
    %dma_start3A = arith.constant 0 : i32
    %dma_start3A_5 = arith.constant 0 : i32
    %dma_start3A_6 = arith.constant 0 : i32
    %dma_start3A_7 = tpu.memref_slice %arg6[%dma_start3A, %dma_start3A_5, %dma_start3A_6] : memref<2x640x64xf32, #tpu.memory_space<vmem>> -> memref<1x128x64xf32, #tpu.memory_space<vmem>>
    %dma_start3A_8 = tpu.memref_squeeze %dma_start3A_7 : memref<1x128x64xf32, #tpu.memory_space<vmem>> -> memref<128x64xf32, #tpu.memory_space<vmem>>
    %dma_start3A_9 = tpu.memref_slice %arg5[%multiple_of3A_4] : memref<32000xi32, #tpu.memory_space<vmem>> -> memref<128xi32, #tpu.memory_space<vmem>>
    %dma_start3A_10 = arith.constant 0 : i32
    %dma_start3A_11 = arith.constant 0 : i32
    %dma_start3A_12 = tpu.memref_slice %arg2[%dma_start3A_10, %dma_start3A_11] : memref<100000x64xf32, #tpu.memory_space<hbm>> -> memref<100000x64xf32, #tpu.memory_space<hbm>>
    tpu.enqueue_indirect_dma source(%dma_start3A_12 : memref<100000x64xf32, #tpu.memory_space<hbm>>) target(%dma_start3A_8 : memref<128x64xf32, #tpu.memory_space<vmem>>) offsets(%dma_start3A_9 : memref<128xi32, #tpu.memory_space<vmem>>) semaphore(%arg7 : memref<!tpu.dma_semaphore, #tpu.memory_space<semaphore_mem>>)
    %multiple_of3A_13 = arith.constant 128 : i32
    %multiple_of3A_14 = tpu.assume_multiple %multiple_of3A_13, 8 : i32
    %dma_start3A_15 = arith.constant 0 : i32
    %dma_start3A_16 = arith.constant 128 : i32
    %dma_start3A_17 = arith.constant 0 : i32
    %dma_start3A_18 = tpu.memref_slice %arg6[%dma_start3A_15, %dma_start3A_16, %dma_start3A_17] : memref<2x640x64xf32, #tpu.memory_space<vmem>> -> memref<1x128x64xf32, #tpu.memory_space<vmem>>
    %dma_start3A_19 = tpu.memref_squeeze %dma_start3A_18 : memref<1x128x64xf32, #tpu.memory_space<vmem>> -> memref<128x64xf32, #tpu.memory_space<vmem>>
    %dma_start3A_20 = tpu.memref_slice %arg5[%multiple_of3A_14] : memref<32000xi32, #tpu.memory_space<vmem>> -> memref<128xi32, #tpu.memory_space<vmem>>
    %dma_start3A_21 = arith.constant 0 : i32
    %dma_start3A_22 = arith.constant 0 : i32
    %dma_start3A_23 = tpu.memref_slice %arg2[%dma_start3A_21, %dma_start3A_22] : memref<100000x64xf32, #tpu.memory_space<hbm>> -> memref<100000x64xf32, #tpu.memory_space<hbm>>
    tpu.enqueue_indirect_dma source(%dma_start3A_23 : memref<100000x64xf32, #tpu.memory_space<hbm>>) target(%dma_start3A_19 : memref<128x64xf32, #tpu.memory_space<vmem>>) offsets(%dma_start3A_20 : memref<128xi32, #tpu.memory_space<vmem>>) semaphore(%arg7 : memref<!tpu.dma_semaphore, #tpu.memory_space<semaphore_mem>>)
    %multiple_of3A_24 = arith.constant 256 : i32
    %multiple_of3A_25 = tpu.assume_multiple %multiple_of3A_24, 8 : i32
    %dma_start3A_26 = arith.constant 0 : i32
    %dma_start3A_27 = arith.constant 256 : i32
    %dma_start3A_28 = arith.constant 0 : i32
    %dma_start3A_29 = tpu.memref_slice %arg6[%dma_start3A_26, %dma_start3A_27, %dma_start3A_28] : memref<2x640x64xf32, #tpu.memory_space<vmem>> -> memref<1x128x64xf32, #tpu.memory_space<vmem>>
    %dma_start3A_30 = tpu.memref_squeeze %dma_start3A_29 : memref<1x128x64xf32, #tpu.memory_space<vmem>> -> memref<128x64xf32, #tpu.memory_space<vmem>>
    %dma_start3A_31 = tpu.memref_slice %arg5[%multiple_of3A_25] : memref<32000xi32, #tpu.memory_space<vmem>> -> memref<128xi32, #tpu.memory_space<vmem>>
    %dma_start3A_32 = arith.constant 0 : i32
    %dma_start3A_33 = arith.constant 0 : i32
    %dma_start3A_34 = tpu.memref_slice %arg2[%dma_start3A_32, %dma_start3A_33] : memref<100000x64xf32, #tpu.memory_space<hbm>> -> memref<100000x64xf32, #tpu.memory_space<hbm>>
    tpu.enqueue_indirect_dma source(%dma_start3A_34 : memref<100000x64xf32, #tpu.memory_space<hbm>>) target(%dma_start3A_30 : memref<128x64xf32, #tpu.memory_space<vmem>>) offsets(%dma_start3A_31 : memref<128xi32, #tpu.memory_space<vmem>>) semaphore(%arg7 : memref<!tpu.dma_semaphore, #tpu.memory_space<semaphore_mem>>)
    %multiple_of3A_35 = arith.constant 384 : i32
    %multiple_of3A_36 = tpu.assume_multiple %multiple_of3A_35, 8 : i32
    %dma_start3A_37 = arith.constant 0 : i32
    %dma_start3A_38 = arith.constant 384 : i32
    %dma_start3A_39 = arith.constant 0 : i32
    %dma_start3A_40 = tpu.memref_slice %arg6[%dma_start3A_37, %dma_start3A_38, %dma_start3A_39] : memref<2x640x64xf32, #tpu.memory_space<vmem>> -> memref<1x128x64xf32, #tpu.memory_space<vmem>>
    %dma_start3A_41 = tpu.memref_squeeze %dma_start3A_40 : memref<1x128x64xf32, #tpu.memory_space<vmem>> -> memref<128x64xf32, #tpu.memory_space<vmem>>
    %dma_start3A_42 = tpu.memref_slice %arg5[%multiple_of3A_36] : memref<32000xi32, #tpu.memory_space<vmem>> -> memref<128xi32, #tpu.memory_space<vmem>>
    %dma_start3A_43 = arith.constant 0 : i32
    %dma_start3A_44 = arith.constant 0 : i32
    %dma_start3A_45 = tpu.memref_slice %arg2[%dma_start3A_43, %dma_start3A_44] : memref<100000x64xf32, #tpu.memory_space<hbm>> -> memref<100000x64xf32, #tpu.memory_space<hbm>>
    tpu.enqueue_indirect_dma source(%dma_start3A_45 : memref<100000x64xf32, #tpu.memory_space<hbm>>) target(%dma_start3A_41 : memref<128x64xf32, #tpu.memory_space<vmem>>) offsets(%dma_start3A_42 : memref<128xi32, #tpu.memory_space<vmem>>) semaphore(%arg7 : memref<!tpu.dma_semaphore, #tpu.memory_space<semaphore_mem>>)
    %multiple_of3A_46 = arith.constant 512 : i32
    %multiple_of3A_47 = tpu.assume_multiple %multiple_of3A_46, 8 : i32
    %dma_start3A_48 = arith.constant 0 : i32
    %dma_start3A_49 = arith.constant 512 : i32
    %dma_start3A_50 = arith.constant 0 : i32
    %dma_start3A_51 = tpu.memref_slice %arg6[%dma_start3A_48, %dma_start3A_49, %dma_start3A_50] : memref<2x640x64xf32, #tpu.memory_space<vmem>> -> memref<1x128x64xf32, #tpu.memory_space<vmem>>
    %dma_start3A_52 = tpu.memref_squeeze %dma_start3A_51 : memref<1x128x64xf32, #tpu.memory_space<vmem>> -> memref<128x64xf32, #tpu.memory_space<vmem>>
    %dma_start3A_53 = tpu.memref_slice %arg5[%multiple_of3A_47] : memref<32000xi32, #tpu.memory_space<vmem>> -> memref<128xi32, #tpu.memory_space<vmem>>
    %dma_start3A_54 = arith.constant 0 : i32
    %dma_start3A_55 = arith.constant 0 : i32
    %dma_start3A_56 = tpu.memref_slice %arg2[%dma_start3A_54, %dma_start3A_55] : memref<100000x64xf32, #tpu.memory_space<hbm>> -> memref<100000x64xf32, #tpu.memory_space<hbm>>
    tpu.enqueue_indirect_dma source(%dma_start3A_56 : memref<100000x64xf32, #tpu.memory_space<hbm>>) target(%dma_start3A_52 : memref<128x64xf32, #tpu.memory_space<vmem>>) offsets(%dma_start3A_53 : memref<128xi32, #tpu.memory_space<vmem>>) semaphore(%arg7 : memref<!tpu.dma_semaphore, #tpu.memory_space<semaphore_mem>>)
    %scan3A = arith.constant 0 : i32
    %scan3A_57 = arith.constant 0 : i32
    %scan3A_58 = arith.constant 25 : i32
    %scan3A_59 = arith.addi %scan3A_57, %scan3A_58 : i32
    %scan3A_60 = arith.constant 1 : i32
    scf.for %scan3A_91 = %scan3A_57 to %scan3A_59 step %scan3A_60  : i32 {
      %mul3A_92 = arith.constant 2 : i32
      %mul3A_93 = arith.muli %scan3A_91, %mul3A_92 : i32
      %add3A_94 = arith.constant 0 : i32
      %add3A_95 = arith.addi %mul3A_93, %add3A_94 : i32
      %dma_wait3A_96 = arith.constant 0 : i32
      %dma_wait3A_97 = arith.constant 0 : i32
      %dma_wait3A_98 = arith.constant 0 : i32
      %dma_wait3A_99 = tpu.memref_slice %arg6[%dma_wait3A_96, %dma_wait3A_97, %dma_wait3A_98] : memref<2x640x64xf32, #tpu.memory_space<vmem>> -> memref<1x640x64xf32, #tpu.memory_space<vmem>>
      %dma_wait3A_100 = tpu.memref_squeeze %dma_wait3A_99 : memref<1x640x64xf32, #tpu.memory_space<vmem>> -> memref<640x64xf32, #tpu.memory_space<vmem>>
      %dma_wait3A_101 = arith.constant 0 : i32
      %dma_wait3A_102 = arith.constant 0 : i32
      %dma_wait3A_103 = tpu.memref_slice %arg2[%dma_wait3A_101, %dma_wait3A_102] : memref<100000x64xf32, #tpu.memory_space<hbm>> -> memref<640x64xf32, #tpu.memory_space<hbm>>
      %dma_wait3A_104 = arith.constant 0 : i32
      %dma_wait3A_105 = arith.constant 0 : i32
      %dma_wait3A_106 = tpu.memref_slice %arg6[%dma_wait3A_96, %dma_wait3A_104, %dma_wait3A_105] : memref<2x640x64xf32, #tpu.memory_space<vmem>> -> memref<1x640x64xf32, #tpu.memory_space<vmem>>
      %dma_wait3A_107 = tpu.memref_squeeze %dma_wait3A_106 : memref<1x640x64xf32, #tpu.memory_space<vmem>> -> memref<640x64xf32, #tpu.memory_space<vmem>>
      %dma_wait3A_108 = arith.constant 0 : i32
      %dma_wait3A_109 = arith.constant 0 : i32
      %dma_wait3A_110 = tpu.memref_slice %arg2[%dma_wait3A_108, %dma_wait3A_109] : memref<100000x64xf32, #tpu.memory_space<hbm>> -> memref<640x64xf32, #tpu.memory_space<hbm>>
      tpu.wait_dma2 semaphore(%arg7 : memref<!tpu.dma_semaphore, #tpu.memory_space<semaphore_mem>>) src(%dma_wait3A_110 : memref<640x64xf32, #tpu.memory_space<hbm>>) dst(%dma_wait3A_107 : memref<640x64xf32, #tpu.memory_space<vmem>>)
      %mul3A_111 = arith.constant 640 : i32
      %mul3A_112 = arith.muli %add3A_95, %mul3A_111 : i32
      %add3A_113 = arith.addi %multiple_of3A, %mul3A_112 : i32
      %multiple_of3A_114 = tpu.assume_multiple %add3A_113, 8 : i32
      %dma_start3A_115 = arith.constant 0 : i32
      %dma_start3A_116 = arith.constant 0 : i32
      %dma_start3A_117 = arith.constant 0 : i32
      %dma_start3A_118 = tpu.memref_slice %arg6[%dma_start3A_115, %dma_start3A_116, %dma_start3A_117] : memref<2x640x64xf32, #tpu.memory_space<vmem>> -> memref<1x640x64xf32, #tpu.memory_space<vmem>>
      %dma_start3A_119 = tpu.memref_squeeze %dma_start3A_118 : memref<1x640x64xf32, #tpu.memory_space<vmem>> -> memref<640x64xf32, #tpu.memory_space<vmem>>
      %dma_start3A_120 = arith.constant 0 : i32
      %dma_start3A_121 = tpu.memref_slice %arg4[%multiple_of3A_114, %dma_start3A_120] : memref<1024000x64xf32, #tpu.memory_space<hbm>> -> memref<640x64xf32, #tpu.memory_space<hbm>>
      %dma_start3A_122 = arith.constant 0 : i32
      %dma_start3A_123 = tpu.memref_slice %arg4[%multiple_of3A_114, %dma_start3A_122] : memref<1024000x64xf32, #tpu.memory_space<hbm>> -> memref<640x64xf32, #tpu.memory_space<hbm>>
      %dma_start3A_124 = arith.constant 0 : i32
      %dma_start3A_125 = arith.constant 0 : i32
      %dma_start3A_126 = tpu.memref_slice %arg6[%dma_start3A_115, %dma_start3A_124, %dma_start3A_125] : memref<2x640x64xf32, #tpu.memory_space<vmem>> -> memref<1x640x64xf32, #tpu.memory_space<vmem>>
      %dma_start3A_127 = tpu.memref_squeeze %dma_start3A_126 : memref<1x640x64xf32, #tpu.memory_space<vmem>> -> memref<640x64xf32, #tpu.memory_space<vmem>>
      tpu.enqueue_dma source(%dma_start3A_127 : memref<640x64xf32, #tpu.memory_space<vmem>>) target(%dma_start3A_123 : memref<640x64xf32, #tpu.memory_space<hbm>>) target_semaphore(%arg9 : memref<!tpu.dma_semaphore, #tpu.memory_space<semaphore_mem>>)
      %ge3A = arith.constant 1 : i32
      %ge3A_128 = arith.cmpi sge, %add3A_95, %ge3A : i32
      %lt3A = arith.constant 49 : i32
      %lt3A_129 = arith.cmpi slt, %add3A_95, %lt3A : i32
      %and3A = arith.andi %ge3A_128, %lt3A_129 : i1
      %convert_element_type3A = arith.extui %and3A : i1 to i32
      %cond3A = arith.constant 0 : i32
      %cond3A_130 = arith.cmpi ne, %convert_element_type3A, %cond3A : i32
      scf.if %cond3A_130 {
        %dma_wait3A_185 = arith.constant 1 : i32
        %dma_wait3A_186 = arith.constant 0 : i32
        %dma_wait3A_187 = arith.constant 0 : i32
        %dma_wait3A_188 = tpu.memref_slice %arg6[%dma_wait3A_185, %dma_wait3A_186, %dma_wait3A_187] : memref<2x640x64xf32, #tpu.memory_space<vmem>> -> memref<1x640x64xf32, #tpu.memory_space<vmem>>
        %dma_wait3A_189 = tpu.memref_squeeze %dma_wait3A_188 : memref<1x640x64xf32, #tpu.memory_space<vmem>> -> memref<640x64xf32, #tpu.memory_space<vmem>>
        %dma_wait3A_190 = arith.constant 0 : i32
        %dma_wait3A_191 = arith.constant 0 : i32
        %dma_wait3A_192 = tpu.memref_slice %arg2[%dma_wait3A_190, %dma_wait3A_191] : memref<100000x64xf32, #tpu.memory_space<hbm>> -> memref<640x64xf32, #tpu.memory_space<hbm>>
        %dma_wait3A_193 = arith.constant 0 : i32
        %dma_wait3A_194 = arith.constant 0 : i32
        %dma_wait3A_195 = tpu.memref_slice %arg6[%dma_wait3A_185, %dma_wait3A_193, %dma_wait3A_194] : memref<2x640x64xf32, #tpu.memory_space<vmem>> -> memref<1x640x64xf32, #tpu.memory_space<vmem>>
        %dma_wait3A_196 = tpu.memref_squeeze %dma_wait3A_195 : memref<1x640x64xf32, #tpu.memory_space<vmem>> -> memref<640x64xf32, #tpu.memory_space<vmem>>
        %dma_wait3A_197 = arith.constant 0 : i32
        %dma_wait3A_198 = arith.constant 0 : i32
        %dma_wait3A_199 = tpu.memref_slice %arg2[%dma_wait3A_197, %dma_wait3A_198] : memref<100000x64xf32, #tpu.memory_space<hbm>> -> memref<640x64xf32, #tpu.memory_space<hbm>>
        tpu.wait_dma2 semaphore(%arg10 : memref<!tpu.dma_semaphore, #tpu.memory_space<semaphore_mem>>) src(%dma_wait3A_199 : memref<640x64xf32, #tpu.memory_space<hbm>>) dst(%dma_wait3A_196 : memref<640x64xf32, #tpu.memory_space<vmem>>)
      } else {
      }
      %lt3A_131 = arith.constant 49 : i32
      %lt3A_132 = arith.cmpi slt, %add3A_95, %lt3A_131 : i32
      %convert_element_type3A_133 = arith.extui %lt3A_132 : i1 to i32
      %cond3A_134 = arith.constant 0 : i32
      %cond3A_135 = arith.cmpi ne, %convert_element_type3A_133, %cond3A_134 : i32
      scf.if %cond3A_135 {
        %add3A_185 = arith.constant 1 : i32
        %add3A_186 = arith.addi %add3A_95, %add3A_185 : i32
        %mul3A_187 = arith.constant 640 : i32
        %mul3A_188 = arith.muli %add3A_186, %mul3A_187 : i32
        %add3A_189 = arith.constant 0 : i32
        %add3A_190 = arith.addi %mul3A_188, %add3A_189 : i32
        %multiple_of3A_191 = tpu.assume_multiple %add3A_190, 8 : i32
        %dma_start3A_192 = arith.constant 1 : i32
        %dma_start3A_193 = arith.constant 0 : i32
        %dma_start3A_194 = arith.constant 0 : i32
        %dma_start3A_195 = tpu.memref_slice %arg6[%dma_start3A_192, %dma_start3A_193, %dma_start3A_194] : memref<2x640x64xf32, #tpu.memory_space<vmem>> -> memref<1x128x64xf32, #tpu.memory_space<vmem>>
        %dma_start3A_196 = tpu.memref_squeeze %dma_start3A_195 : memref<1x128x64xf32, #tpu.memory_space<vmem>> -> memref<128x64xf32, #tpu.memory_space<vmem>>
        %dma_start3A_197 = tpu.memref_slice %arg5[%multiple_of3A_191] : memref<32000xi32, #tpu.memory_space<vmem>> -> memref<128xi32, #tpu.memory_space<vmem>>
        %dma_start3A_198 = arith.constant 0 : i32
        %dma_start3A_199 = arith.constant 0 : i32
        %dma_start3A_200 = tpu.memref_slice %arg2[%dma_start3A_198, %dma_start3A_199] : memref<100000x64xf32, #tpu.memory_space<hbm>> -> memref<100000x64xf32, #tpu.memory_space<hbm>>
        tpu.enqueue_indirect_dma source(%dma_start3A_200 : memref<100000x64xf32, #tpu.memory_space<hbm>>) target(%dma_start3A_196 : memref<128x64xf32, #tpu.memory_space<vmem>>) offsets(%dma_start3A_197 : memref<128xi32, #tpu.memory_space<vmem>>) semaphore(%arg8 : memref<!tpu.dma_semaphore, #tpu.memory_space<semaphore_mem>>)
        %mul3A_201 = arith.constant 640 : i32
        %mul3A_202 = arith.muli %add3A_186, %mul3A_201 : i32
        %add3A_203 = arith.constant 128 : i32
        %add3A_204 = arith.addi %mul3A_202, %add3A_203 : i32
        %multiple_of3A_205 = tpu.assume_multiple %add3A_204, 8 : i32
        %dma_start3A_206 = arith.constant 1 : i32
        %dma_start3A_207 = arith.constant 128 : i32
        %dma_start3A_208 = arith.constant 0 : i32
        %dma_start3A_209 = tpu.memref_slice %arg6[%dma_start3A_206, %dma_start3A_207, %dma_start3A_208] : memref<2x640x64xf32, #tpu.memory_space<vmem>> -> memref<1x128x64xf32, #tpu.memory_space<vmem>>
        %dma_start3A_210 = tpu.memref_squeeze %dma_start3A_209 : memref<1x128x64xf32, #tpu.memory_space<vmem>> -> memref<128x64xf32, #tpu.memory_space<vmem>>
        %dma_start3A_211 = tpu.memref_slice %arg5[%multiple_of3A_205] : memref<32000xi32, #tpu.memory_space<vmem>> -> memref<128xi32, #tpu.memory_space<vmem>>
        %dma_start3A_212 = arith.constant 0 : i32
        %dma_start3A_213 = arith.constant 0 : i32
        %dma_start3A_214 = tpu.memref_slice %arg2[%dma_start3A_212, %dma_start3A_213] : memref<100000x64xf32, #tpu.memory_space<hbm>> -> memref<100000x64xf32, #tpu.memory_space<hbm>>
        tpu.enqueue_indirect_dma source(%dma_start3A_214 : memref<100000x64xf32, #tpu.memory_space<hbm>>) target(%dma_start3A_210 : memref<128x64xf32, #tpu.memory_space<vmem>>) offsets(%dma_start3A_211 : memref<128xi32, #tpu.memory_space<vmem>>) semaphore(%arg8 : memref<!tpu.dma_semaphore, #tpu.memory_space<semaphore_mem>>)
        %mul3A_215 = arith.constant 640 : i32
        %mul3A_216 = arith.muli %add3A_186, %mul3A_215 : i32
        %add3A_217 = arith.constant 256 : i32
        %add3A_218 = arith.addi %mul3A_216, %add3A_217 : i32
        %multiple_of3A_219 = tpu.assume_multiple %add3A_218, 8 : i32
        %dma_start3A_220 = arith.constant 1 : i32
        %dma_start3A_221 = arith.constant 256 : i32
        %dma_start3A_222 = arith.constant 0 : i32
        %dma_start3A_223 = tpu.memref_slice %arg6[%dma_start3A_220, %dma_start3A_221, %dma_start3A_222] : memref<2x640x64xf32, #tpu.memory_space<vmem>> -> memref<1x128x64xf32, #tpu.memory_space<vmem>>
        %dma_start3A_224 = tpu.memref_squeeze %dma_start3A_223 : memref<1x128x64xf32, #tpu.memory_space<vmem>> -> memref<128x64xf32, #tpu.memory_space<vmem>>
        %dma_start3A_225 = tpu.memref_slice %arg5[%multiple_of3A_219] : memref<32000xi32, #tpu.memory_space<vmem>> -> memref<128xi32, #tpu.memory_space<vmem>>
        %dma_start3A_226 = arith.constant 0 : i32
        %dma_start3A_227 = arith.constant 0 : i32
        %dma_start3A_228 = tpu.memref_slice %arg2[%dma_start3A_226, %dma_start3A_227] : memref<100000x64xf32, #tpu.memory_space<hbm>> -> memref<100000x64xf32, #tpu.memory_space<hbm>>
        tpu.enqueue_indirect_dma source(%dma_start3A_228 : memref<100000x64xf32, #tpu.memory_space<hbm>>) target(%dma_start3A_224 : memref<128x64xf32, #tpu.memory_space<vmem>>) offsets(%dma_start3A_225 : memref<128xi32, #tpu.memory_space<vmem>>) semaphore(%arg8 : memref<!tpu.dma_semaphore, #tpu.memory_space<semaphore_mem>>)
        %mul3A_229 = arith.constant 640 : i32
        %mul3A_230 = arith.muli %add3A_186, %mul3A_229 : i32
        %add3A_231 = arith.constant 384 : i32
        %add3A_232 = arith.addi %mul3A_230, %add3A_231 : i32
        %multiple_of3A_233 = tpu.assume_multiple %add3A_232, 8 : i32
        %dma_start3A_234 = arith.constant 1 : i32
        %dma_start3A_235 = arith.constant 384 : i32
        %dma_start3A_236 = arith.constant 0 : i32
        %dma_start3A_237 = tpu.memref_slice %arg6[%dma_start3A_234, %dma_start3A_235, %dma_start3A_236] : memref<2x640x64xf32, #tpu.memory_space<vmem>> -> memref<1x128x64xf32, #tpu.memory_space<vmem>>
        %dma_start3A_238 = tpu.memref_squeeze %dma_start3A_237 : memref<1x128x64xf32, #tpu.memory_space<vmem>> -> memref<128x64xf32, #tpu.memory_space<vmem>>
        %dma_start3A_239 = tpu.memref_slice %arg5[%multiple_of3A_233] : memref<32000xi32, #tpu.memory_space<vmem>> -> memref<128xi32, #tpu.memory_space<vmem>>
        %dma_start3A_240 = arith.constant 0 : i32
        %dma_start3A_241 = arith.constant 0 : i32
        %dma_start3A_242 = tpu.memref_slice %arg2[%dma_start3A_240, %dma_start3A_241] : memref<100000x64xf32, #tpu.memory_space<hbm>> -> memref<100000x64xf32, #tpu.memory_space<hbm>>
        tpu.enqueue_indirect_dma source(%dma_start3A_242 : memref<100000x64xf32, #tpu.memory_space<hbm>>) target(%dma_start3A_238 : memref<128x64xf32, #tpu.memory_space<vmem>>) offsets(%dma_start3A_239 : memref<128xi32, #tpu.memory_space<vmem>>) semaphore(%arg8 : memref<!tpu.dma_semaphore, #tpu.memory_space<semaphore_mem>>)
        %mul3A_243 = arith.constant 640 : i32
        %mul3A_244 = arith.muli %add3A_186, %mul3A_243 : i32
        %add3A_245 = arith.constant 512 : i32
        %add3A_246 = arith.addi %mul3A_244, %add3A_245 : i32
        %multiple_of3A_247 = tpu.assume_multiple %add3A_246, 8 : i32
        %dma_start3A_248 = arith.constant 1 : i32
        %dma_start3A_249 = arith.constant 512 : i32
        %dma_start3A_250 = arith.constant 0 : i32
        %dma_start3A_251 = tpu.memref_slice %arg6[%dma_start3A_248, %dma_start3A_249, %dma_start3A_250] : memref<2x640x64xf32, #tpu.memory_space<vmem>> -> memref<1x128x64xf32, #tpu.memory_space<vmem>>
        %dma_start3A_252 = tpu.memref_squeeze %dma_start3A_251 : memref<1x128x64xf32, #tpu.memory_space<vmem>> -> memref<128x64xf32, #tpu.memory_space<vmem>>
        %dma_start3A_253 = tpu.memref_slice %arg5[%multiple_of3A_247] : memref<32000xi32, #tpu.memory_space<vmem>> -> memref<128xi32, #tpu.memory_space<vmem>>
        %dma_start3A_254 = arith.constant 0 : i32
        %dma_start3A_255 = arith.constant 0 : i32
        %dma_start3A_256 = tpu.memref_slice %arg2[%dma_start3A_254, %dma_start3A_255] : memref<100000x64xf32, #tpu.memory_space<hbm>> -> memref<100000x64xf32, #tpu.memory_space<hbm>>
        tpu.enqueue_indirect_dma source(%dma_start3A_256 : memref<100000x64xf32, #tpu.memory_space<hbm>>) target(%dma_start3A_252 : memref<128x64xf32, #tpu.memory_space<vmem>>) offsets(%dma_start3A_253 : memref<128xi32, #tpu.memory_space<vmem>>) semaphore(%arg8 : memref<!tpu.dma_semaphore, #tpu.memory_space<semaphore_mem>>)
      } else {
      }
      %mul3A_136 = arith.constant 2 : i32
      %mul3A_137 = arith.muli %scan3A_91, %mul3A_136 : i32
      %add3A_138 = arith.constant 1 : i32
      %add3A_139 = arith.addi %mul3A_137, %add3A_138 : i32
      %dma_wait3A_140 = arith.constant 1 : i32
      %dma_wait3A_141 = arith.constant 0 : i32
      %dma_wait3A_142 = arith.constant 0 : i32
      %dma_wait3A_143 = tpu.memref_slice %arg6[%dma_wait3A_140, %dma_wait3A_141, %dma_wait3A_142] : memref<2x640x64xf32, #tpu.memory_space<vmem>> -> memref<1x640x64xf32, #tpu.memory_space<vmem>>
      %dma_wait3A_144 = tpu.memref_squeeze %dma_wait3A_143 : memref<1x640x64xf32, #tpu.memory_space<vmem>> -> memref<640x64xf32, #tpu.memory_space<vmem>>
      %dma_wait3A_145 = arith.constant 0 : i32
      %dma_wait3A_146 = arith.constant 0 : i32
      %dma_wait3A_147 = tpu.memref_slice %arg2[%dma_wait3A_145, %dma_wait3A_146] : memref<100000x64xf32, #tpu.memory_space<hbm>> -> memref<640x64xf32, #tpu.memory_space<hbm>>
      %dma_wait3A_148 = arith.constant 0 : i32
      %dma_wait3A_149 = arith.constant 0 : i32
      %dma_wait3A_150 = tpu.memref_slice %arg6[%dma_wait3A_140, %dma_wait3A_148, %dma_wait3A_149] : memref<2x640x64xf32, #tpu.memory_space<vmem>> -> memref<1x640x64xf32, #tpu.memory_space<vmem>>
      %dma_wait3A_151 = tpu.memref_squeeze %dma_wait3A_150 : memref<1x640x64xf32, #tpu.memory_space<vmem>> -> memref<640x64xf32, #tpu.memory_space<vmem>>
      %dma_wait3A_152 = arith.constant 0 : i32
      %dma_wait3A_153 = arith.constant 0 : i32
      %dma_wait3A_154 = tpu.memref_slice %arg2[%dma_wait3A_152, %dma_wait3A_153] : memref<100000x64xf32, #tpu.memory_space<hbm>> -> memref<640x64xf32, #tpu.memory_space<hbm>>
      tpu.wait_dma2 semaphore(%arg8 : memref<!tpu.dma_semaphore, #tpu.memory_space<semaphore_mem>>) src(%dma_wait3A_154 : memref<640x64xf32, #tpu.memory_space<hbm>>) dst(%dma_wait3A_151 : memref<640x64xf32, #tpu.memory_space<vmem>>)
      %mul3A_155 = arith.constant 640 : i32
      %mul3A_156 = arith.muli %add3A_139, %mul3A_155 : i32
      %add3A_157 = arith.addi %multiple_of3A, %mul3A_156 : i32
      %multiple_of3A_158 = tpu.assume_multiple %add3A_157, 8 : i32
      %dma_start3A_159 = arith.constant 1 : i32
      %dma_start3A_160 = arith.constant 0 : i32
      %dma_start3A_161 = arith.constant 0 : i32
      %dma_start3A_162 = tpu.memref_slice %arg6[%dma_start3A_159, %dma_start3A_160, %dma_start3A_161] : memref<2x640x64xf32, #tpu.memory_space<vmem>> -> memref<1x640x64xf32, #tpu.memory_space<vmem>>
      %dma_start3A_163 = tpu.memref_squeeze %dma_start3A_162 : memref<1x640x64xf32, #tpu.memory_space<vmem>> -> memref<640x64xf32, #tpu.memory_space<vmem>>
      %dma_start3A_164 = arith.constant 0 : i32
      %dma_start3A_165 = tpu.memref_slice %arg4[%multiple_of3A_158, %dma_start3A_164] : memref<1024000x64xf32, #tpu.memory_space<hbm>> -> memref<640x64xf32, #tpu.memory_space<hbm>>
      %dma_start3A_166 = arith.constant 0 : i32
      %dma_start3A_167 = tpu.memref_slice %arg4[%multiple_of3A_158, %dma_start3A_166] : memref<1024000x64xf32, #tpu.memory_space<hbm>> -> memref<640x64xf32, #tpu.memory_space<hbm>>
      %dma_start3A_168 = arith.constant 0 : i32
      %dma_start3A_169 = arith.constant 0 : i32
      %dma_start3A_170 = tpu.memref_slice %arg6[%dma_start3A_159, %dma_start3A_168, %dma_start3A_169] : memref<2x640x64xf32, #tpu.memory_space<vmem>> -> memref<1x640x64xf32, #tpu.memory_space<vmem>>
      %dma_start3A_171 = tpu.memref_squeeze %dma_start3A_170 : memref<1x640x64xf32, #tpu.memory_space<vmem>> -> memref<640x64xf32, #tpu.memory_space<vmem>>
      tpu.enqueue_dma source(%dma_start3A_171 : memref<640x64xf32, #tpu.memory_space<vmem>>) target(%dma_start3A_167 : memref<640x64xf32, #tpu.memory_space<hbm>>) target_semaphore(%arg10 : memref<!tpu.dma_semaphore, #tpu.memory_space<semaphore_mem>>)
      %ge3A_172 = arith.constant 1 : i32
      %ge3A_173 = arith.cmpi sge, %add3A_139, %ge3A_172 : i32
      %lt3A_174 = arith.constant 49 : i32
      %lt3A_175 = arith.cmpi slt, %add3A_139, %lt3A_174 : i32
      %and3A_176 = arith.andi %ge3A_173, %lt3A_175 : i1
      %convert_element_type3A_177 = arith.extui %and3A_176 : i1 to i32
      %cond3A_178 = arith.constant 0 : i32
      %cond3A_179 = arith.cmpi ne, %convert_element_type3A_177, %cond3A_178 : i32
      scf.if %cond3A_179 {
        %dma_wait3A_185 = arith.constant 0 : i32
        %dma_wait3A_186 = arith.constant 0 : i32
        %dma_wait3A_187 = arith.constant 0 : i32
        %dma_wait3A_188 = tpu.memref_slice %arg6[%dma_wait3A_185, %dma_wait3A_186, %dma_wait3A_187] : memref<2x640x64xf32, #tpu.memory_space<vmem>> -> memref<1x640x64xf32, #tpu.memory_space<vmem>>
        %dma_wait3A_189 = tpu.memref_squeeze %dma_wait3A_188 : memref<1x640x64xf32, #tpu.memory_space<vmem>> -> memref<640x64xf32, #tpu.memory_space<vmem>>
        %dma_wait3A_190 = arith.constant 0 : i32
        %dma_wait3A_191 = arith.constant 0 : i32
        %dma_wait3A_192 = tpu.memref_slice %arg2[%dma_wait3A_190, %dma_wait3A_191] : memref<100000x64xf32, #tpu.memory_space<hbm>> -> memref<640x64xf32, #tpu.memory_space<hbm>>
        %dma_wait3A_193 = arith.constant 0 : i32
        %dma_wait3A_194 = arith.constant 0 : i32
        %dma_wait3A_195 = tpu.memref_slice %arg6[%dma_wait3A_185, %dma_wait3A_193, %dma_wait3A_194] : memref<2x640x64xf32, #tpu.memory_space<vmem>> -> memref<1x640x64xf32, #tpu.memory_space<vmem>>
        %dma_wait3A_196 = tpu.memref_squeeze %dma_wait3A_195 : memref<1x640x64xf32, #tpu.memory_space<vmem>> -> memref<640x64xf32, #tpu.memory_space<vmem>>
        %dma_wait3A_197 = arith.constant 0 : i32
        %dma_wait3A_198 = arith.constant 0 : i32
        %dma_wait3A_199 = tpu.memref_slice %arg2[%dma_wait3A_197, %dma_wait3A_198] : memref<100000x64xf32, #tpu.memory_space<hbm>> -> memref<640x64xf32, #tpu.memory_space<hbm>>
        tpu.wait_dma2 semaphore(%arg9 : memref<!tpu.dma_semaphore, #tpu.memory_space<semaphore_mem>>) src(%dma_wait3A_199 : memref<640x64xf32, #tpu.memory_space<hbm>>) dst(%dma_wait3A_196 : memref<640x64xf32, #tpu.memory_space<vmem>>)
      } else {
      }
      %lt3A_180 = arith.constant 49 : i32
      %lt3A_181 = arith.cmpi slt, %add3A_139, %lt3A_180 : i32
      %convert_element_type3A_182 = arith.extui %lt3A_181 : i1 to i32
      %cond3A_183 = arith.constant 0 : i32
      %cond3A_184 = arith.cmpi ne, %convert_element_type3A_182, %cond3A_183 : i32
      scf.if %cond3A_184 {
        %add3A_185 = arith.constant 1 : i32
        %add3A_186 = arith.addi %add3A_139, %add3A_185 : i32
        %mul3A_187 = arith.constant 640 : i32
        %mul3A_188 = arith.muli %add3A_186, %mul3A_187 : i32
        %add3A_189 = arith.constant 0 : i32
        %add3A_190 = arith.addi %mul3A_188, %add3A_189 : i32
        %multiple_of3A_191 = tpu.assume_multiple %add3A_190, 8 : i32
        %dma_start3A_192 = arith.constant 0 : i32
        %dma_start3A_193 = arith.constant 0 : i32
        %dma_start3A_194 = arith.constant 0 : i32
        %dma_start3A_195 = tpu.memref_slice %arg6[%dma_start3A_192, %dma_start3A_193, %dma_start3A_194] : memref<2x640x64xf32, #tpu.memory_space<vmem>> -> memref<1x128x64xf32, #tpu.memory_space<vmem>>
        %dma_start3A_196 = tpu.memref_squeeze %dma_start3A_195 : memref<1x128x64xf32, #tpu.memory_space<vmem>> -> memref<128x64xf32, #tpu.memory_space<vmem>>
        %dma_start3A_197 = tpu.memref_slice %arg5[%multiple_of3A_191] : memref<32000xi32, #tpu.memory_space<vmem>> -> memref<128xi32, #tpu.memory_space<vmem>>
        %dma_start3A_198 = arith.constant 0 : i32
        %dma_start3A_199 = arith.constant 0 : i32
        %dma_start3A_200 = tpu.memref_slice %arg2[%dma_start3A_198, %dma_start3A_199] : memref<100000x64xf32, #tpu.memory_space<hbm>> -> memref<100000x64xf32, #tpu.memory_space<hbm>>
        tpu.enqueue_indirect_dma source(%dma_start3A_200 : memref<100000x64xf32, #tpu.memory_space<hbm>>) target(%dma_start3A_196 : memref<128x64xf32, #tpu.memory_space<vmem>>) offsets(%dma_start3A_197 : memref<128xi32, #tpu.memory_space<vmem>>) semaphore(%arg7 : memref<!tpu.dma_semaphore, #tpu.memory_space<semaphore_mem>>)
        %mul3A_201 = arith.constant 640 : i32
        %mul3A_202 = arith.muli %add3A_186, %mul3A_201 : i32
        %add3A_203 = arith.constant 128 : i32
        %add3A_204 = arith.addi %mul3A_202, %add3A_203 : i32
        %multiple_of3A_205 = tpu.assume_multiple %add3A_204, 8 : i32
        %dma_start3A_206 = arith.constant 0 : i32
        %dma_start3A_207 = arith.constant 128 : i32
        %dma_start3A_208 = arith.constant 0 : i32
        %dma_start3A_209 = tpu.memref_slice %arg6[%dma_start3A_206, %dma_start3A_207, %dma_start3A_208] : memref<2x640x64xf32, #tpu.memory_space<vmem>> -> memref<1x128x64xf32, #tpu.memory_space<vmem>>
        %dma_start3A_210 = tpu.memref_squeeze %dma_start3A_209 : memref<1x128x64xf32, #tpu.memory_space<vmem>> -> memref<128x64xf32, #tpu.memory_space<vmem>>
        %dma_start3A_211 = tpu.memref_slice %arg5[%multiple_of3A_205] : memref<32000xi32, #tpu.memory_space<vmem>> -> memref<128xi32, #tpu.memory_space<vmem>>
        %dma_start3A_212 = arith.constant 0 : i32
        %dma_start3A_213 = arith.constant 0 : i32
        %dma_start3A_214 = tpu.memref_slice %arg2[%dma_start3A_212, %dma_start3A_213] : memref<100000x64xf32, #tpu.memory_space<hbm>> -> memref<100000x64xf32, #tpu.memory_space<hbm>>
        tpu.enqueue_indirect_dma source(%dma_start3A_214 : memref<100000x64xf32, #tpu.memory_space<hbm>>) target(%dma_start3A_210 : memref<128x64xf32, #tpu.memory_space<vmem>>) offsets(%dma_start3A_211 : memref<128xi32, #tpu.memory_space<vmem>>) semaphore(%arg7 : memref<!tpu.dma_semaphore, #tpu.memory_space<semaphore_mem>>)
        %mul3A_215 = arith.constant 640 : i32
        %mul3A_216 = arith.muli %add3A_186, %mul3A_215 : i32
        %add3A_217 = arith.constant 256 : i32
        %add3A_218 = arith.addi %mul3A_216, %add3A_217 : i32
        %multiple_of3A_219 = tpu.assume_multiple %add3A_218, 8 : i32
        %dma_start3A_220 = arith.constant 0 : i32
        %dma_start3A_221 = arith.constant 256 : i32
        %dma_start3A_222 = arith.constant 0 : i32
        %dma_start3A_223 = tpu.memref_slice %arg6[%dma_start3A_220, %dma_start3A_221, %dma_start3A_222] : memref<2x640x64xf32, #tpu.memory_space<vmem>> -> memref<1x128x64xf32, #tpu.memory_space<vmem>>
        %dma_start3A_224 = tpu.memref_squeeze %dma_start3A_223 : memref<1x128x64xf32, #tpu.memory_space<vmem>> -> memref<128x64xf32, #tpu.memory_space<vmem>>
        %dma_start3A_225 = tpu.memref_slice %arg5[%multiple_of3A_219] : memref<32000xi32, #tpu.memory_space<vmem>> -> memref<128xi32, #tpu.memory_space<vmem>>
        %dma_start3A_226 = arith.constant 0 : i32
        %dma_start3A_227 = arith.constant 0 : i32
        %dma_start3A_228 = tpu.memref_slice %arg2[%dma_start3A_226, %dma_start3A_227] : memref<100000x64xf32, #tpu.memory_space<hbm>> -> memref<100000x64xf32, #tpu.memory_space<hbm>>
        tpu.enqueue_indirect_dma source(%dma_start3A_228 : memref<100000x64xf32, #tpu.memory_space<hbm>>) target(%dma_start3A_224 : memref<128x64xf32, #tpu.memory_space<vmem>>) offsets(%dma_start3A_225 : memref<128xi32, #tpu.memory_space<vmem>>) semaphore(%arg7 : memref<!tpu.dma_semaphore, #tpu.memory_space<semaphore_mem>>)
        %mul3A_229 = arith.constant 640 : i32
        %mul3A_230 = arith.muli %add3A_186, %mul3A_229 : i32
        %add3A_231 = arith.constant 384 : i32
        %add3A_232 = arith.addi %mul3A_230, %add3A_231 : i32
        %multiple_of3A_233 = tpu.assume_multiple %add3A_232, 8 : i32
        %dma_start3A_234 = arith.constant 0 : i32
        %dma_start3A_235 = arith.constant 384 : i32
        %dma_start3A_236 = arith.constant 0 : i32
        %dma_start3A_237 = tpu.memref_slice %arg6[%dma_start3A_234, %dma_start3A_235, %dma_start3A_236] : memref<2x640x64xf32, #tpu.memory_space<vmem>> -> memref<1x128x64xf32, #tpu.memory_space<vmem>>
        %dma_start3A_238 = tpu.memref_squeeze %dma_start3A_237 : memref<1x128x64xf32, #tpu.memory_space<vmem>> -> memref<128x64xf32, #tpu.memory_space<vmem>>
        %dma_start3A_239 = tpu.memref_slice %arg5[%multiple_of3A_233] : memref<32000xi32, #tpu.memory_space<vmem>> -> memref<128xi32, #tpu.memory_space<vmem>>
        %dma_start3A_240 = arith.constant 0 : i32
        %dma_start3A_241 = arith.constant 0 : i32
        %dma_start3A_242 = tpu.memref_slice %arg2[%dma_start3A_240, %dma_start3A_241] : memref<100000x64xf32, #tpu.memory_space<hbm>> -> memref<100000x64xf32, #tpu.memory_space<hbm>>
        tpu.enqueue_indirect_dma source(%dma_start3A_242 : memref<100000x64xf32, #tpu.memory_space<hbm>>) target(%dma_start3A_238 : memref<128x64xf32, #tpu.memory_space<vmem>>) offsets(%dma_start3A_239 : memref<128xi32, #tpu.memory_space<vmem>>) semaphore(%arg7 : memref<!tpu.dma_semaphore, #tpu.memory_space<semaphore_mem>>)
        %mul3A_243 = arith.constant 640 : i32
        %mul3A_244 = arith.muli %add3A_186, %mul3A_243 : i32
        %add3A_245 = arith.constant 512 : i32
        %add3A_246 = arith.addi %mul3A_244, %add3A_245 : i32
        %multiple_of3A_247 = tpu.assume_multiple %add3A_246, 8 : i32
        %dma_start3A_248 = arith.constant 0 : i32
        %dma_start3A_249 = arith.constant 512 : i32
        %dma_start3A_250 = arith.constant 0 : i32
        %dma_start3A_251 = tpu.memref_slice %arg6[%dma_start3A_248, %dma_start3A_249, %dma_start3A_250] : memref<2x640x64xf32, #tpu.memory_space<vmem>> -> memref<1x128x64xf32, #tpu.memory_space<vmem>>
        %dma_start3A_252 = tpu.memref_squeeze %dma_start3A_251 : memref<1x128x64xf32, #tpu.memory_space<vmem>> -> memref<128x64xf32, #tpu.memory_space<vmem>>
        %dma_start3A_253 = tpu.memref_slice %arg5[%multiple_of3A_247] : memref<32000xi32, #tpu.memory_space<vmem>> -> memref<128xi32, #tpu.memory_space<vmem>>
        %dma_start3A_254 = arith.constant 0 : i32
        %dma_start3A_255 = arith.constant 0 : i32
        %dma_start3A_256 = tpu.memref_slice %arg2[%dma_start3A_254, %dma_start3A_255] : memref<100000x64xf32, #tpu.memory_space<hbm>> -> memref<100000x64xf32, #tpu.memory_space<hbm>>
        tpu.enqueue_indirect_dma source(%dma_start3A_256 : memref<100000x64xf32, #tpu.memory_space<hbm>>) target(%dma_start3A_252 : memref<128x64xf32, #tpu.memory_space<vmem>>) offsets(%dma_start3A_253 : memref<128xi32, #tpu.memory_space<vmem>>) semaphore(%arg7 : memref<!tpu.dma_semaphore, #tpu.memory_space<semaphore_mem>>)
      } else {
      }
    }
    %scan3A_61 = arith.constant 25 : i32
    %dma_wait3A = arith.constant 0 : i32
    %dma_wait3A_62 = arith.constant 0 : i32
    %dma_wait3A_63 = arith.constant 0 : i32
    %dma_wait3A_64 = tpu.memref_slice %arg6[%dma_wait3A, %dma_wait3A_62, %dma_wait3A_63] : memref<2x640x64xf32, #tpu.memory_space<vmem>> -> memref<1x640x64xf32, #tpu.memory_space<vmem>>
    %dma_wait3A_65 = tpu.memref_squeeze %dma_wait3A_64 : memref<1x640x64xf32, #tpu.memory_space<vmem>> -> memref<640x64xf32, #tpu.memory_space<vmem>>
    %dma_wait3A_66 = arith.constant 0 : i32
    %dma_wait3A_67 = arith.constant 0 : i32
    %dma_wait3A_68 = tpu.memref_slice %arg2[%dma_wait3A_66, %dma_wait3A_67] : memref<100000x64xf32, #tpu.memory_space<hbm>> -> memref<640x64xf32, #tpu.memory_space<hbm>>
    %dma_wait3A_69 = arith.constant 0 : i32
    %dma_wait3A_70 = arith.constant 0 : i32
    %dma_wait3A_71 = tpu.memref_slice %arg6[%dma_wait3A, %dma_wait3A_69, %dma_wait3A_70] : memref<2x640x64xf32, #tpu.memory_space<vmem>> -> memref<1x640x64xf32, #tpu.memory_space<vmem>>
    %dma_wait3A_72 = tpu.memref_squeeze %dma_wait3A_71 : memref<1x640x64xf32, #tpu.memory_space<vmem>> -> memref<640x64xf32, #tpu.memory_space<vmem>>
    %dma_wait3A_73 = arith.constant 0 : i32
    %dma_wait3A_74 = arith.constant 0 : i32
    %dma_wait3A_75 = tpu.memref_slice %arg2[%dma_wait3A_73, %dma_wait3A_74] : memref<100000x64xf32, #tpu.memory_space<hbm>> -> memref<640x64xf32, #tpu.memory_space<hbm>>
    tpu.wait_dma2 semaphore(%arg9 : memref<!tpu.dma_semaphore, #tpu.memory_space<semaphore_mem>>) src(%dma_wait3A_75 : memref<640x64xf32, #tpu.memory_space<hbm>>) dst(%dma_wait3A_72 : memref<640x64xf32, #tpu.memory_space<vmem>>)
    %dma_wait3A_76 = arith.constant 1 : i32
    %dma_wait3A_77 = arith.constant 0 : i32
    %dma_wait3A_78 = arith.constant 0 : i32
    %dma_wait3A_79 = tpu.memref_slice %arg6[%dma_wait3A_76, %dma_wait3A_77, %dma_wait3A_78] : memref<2x640x64xf32, #tpu.memory_space<vmem>> -> memref<1x640x64xf32, #tpu.memory_space<vmem>>
    %dma_wait3A_80 = tpu.memref_squeeze %dma_wait3A_79 : memref<1x640x64xf32, #tpu.memory_space<vmem>> -> memref<640x64xf32, #tpu.memory_space<vmem>>
    %dma_wait3A_81 = arith.constant 0 : i32
    %dma_wait3A_82 = arith.constant 0 : i32
    %dma_wait3A_83 = tpu.memref_slice %arg2[%dma_wait3A_81, %dma_wait3A_82] : memref<100000x64xf32, #tpu.memory_space<hbm>> -> memref<640x64xf32, #tpu.memory_space<hbm>>
    %dma_wait3A_84 = arith.constant 0 : i32
    %dma_wait3A_85 = arith.constant 0 : i32
    %dma_wait3A_86 = tpu.memref_slice %arg6[%dma_wait3A_76, %dma_wait3A_84, %dma_wait3A_85] : memref<2x640x64xf32, #tpu.memory_space<vmem>> -> memref<1x640x64xf32, #tpu.memory_space<vmem>>
    %dma_wait3A_87 = tpu.memref_squeeze %dma_wait3A_86 : memref<1x640x64xf32, #tpu.memory_space<vmem>> -> memref<640x64xf32, #tpu.memory_space<vmem>>
    %dma_wait3A_88 = arith.constant 0 : i32
    %dma_wait3A_89 = arith.constant 0 : i32
    %dma_wait3A_90 = tpu.memref_slice %arg2[%dma_wait3A_88, %dma_wait3A_89] : memref<100000x64xf32, #tpu.memory_space<hbm>> -> memref<640x64xf32, #tpu.memory_space<hbm>>
    tpu.wait_dma2 semaphore(%arg10 : memref<!tpu.dma_semaphore, #tpu.memory_space<semaphore_mem>>) src(%dma_wait3A_90 : memref<640x64xf32, #tpu.memory_space<hbm>>) dst(%dma_wait3A_87 : memref<640x64xf32, #tpu.memory_space<vmem>>)
    return
  }
}

module attributes {stable_mosaic.version = 14 : i64} {
  func.func @body(%arg0: i32, %arg1: memref<8000x128xf32, #tpu.memory_space<vmem>>, %arg2: memref<16x20x16xf32, #tpu.memory_space<vmem>>, %arg3: memref<16x32x16xf32, #tpu.memory_space<vmem>>, %arg4: memref<16x500x2xf32, #tpu.memory_space<vmem>>) attributes {dimension_semantics = [#tpu.dimension_semantics<arbitrary>], iteration_bounds = array<i64: 64>, scalar_prefetch = 0 : i64, scratch_operands = 0 : i64, tpu.core_type = #tpu.core_type<tc>, window_params = [{transform_indices = @transform_0, window_bounds = array<i64: 8000, 128>}, {transform_indices = @transform_1, window_bounds = array<i64: 16, 20, 16>}, {transform_indices = @transform_2, window_bounds = array<i64: 16, 32, 16>}, {transform_indices = @transform_3, window_bounds = array<i64: 16, 500, 2>}]} {
    %iota3A = tpu.iota {dimensions = array<i32: 0>} : vector<500x20xi32>
    %jit3A = arith.constant 25 : i32
    %div3A = vector.broadcast %jit3A : i32 to vector<500x20xi32>
    %div3A_0 = arith.divsi %iota3A, %div3A : vector<500x20xi32>
    %sign3A = arith.constant 0 : i32
    %sign3A_1 = vector.broadcast %sign3A : i32 to vector<500x20xi32>
    %sign3A_2 = arith.cmpi sgt, %iota3A, %sign3A_1 : vector<500x20xi32>
    %sign3A_3 = arith.extui %sign3A_2 : vector<500x20xi1> to vector<500x20xi32>
    %sign3A_4 = arith.constant 0 : i32
    %sign3A_5 = vector.broadcast %sign3A_4 : i32 to vector<500x20xi32>
    %sign3A_6 = arith.cmpi slt, %iota3A, %sign3A_5 : vector<500x20xi32>
    %sign3A_7 = arith.extui %sign3A_6 : vector<500x20xi1> to vector<500x20xi32>
    %sign3A_8 = arith.subi %sign3A_3, %sign3A_7 : vector<500x20xi32>
    %sign3A_9 = arith.constant 0 : i32
    %sign3A_10 = arith.cmpi sgt, %jit3A, %sign3A_9 : i32
    %sign3A_11 = arith.extui %sign3A_10 : i1 to i32
    %sign3A_12 = arith.constant 0 : i32
    %sign3A_13 = arith.cmpi slt, %jit3A, %sign3A_12 : i32
    %sign3A_14 = arith.extui %sign3A_13 : i1 to i32
    %sign3A_15 = arith.subi %sign3A_11, %sign3A_14 : i32
    %ne3A = vector.broadcast %sign3A_15 : i32 to vector<500x20xi32>
    %ne3A_16 = arith.cmpi ne, %sign3A_8, %ne3A : vector<500x20xi32>
    %rem3A = vector.broadcast %jit3A : i32 to vector<500x20xi32>
    %rem3A_17 = arith.remsi %iota3A, %rem3A : vector<500x20xi32>
    %ne3A_18 = arith.constant 0 : i32
    %ne3A_19 = vector.broadcast %ne3A_18 : i32 to vector<500x20xi32>
    %ne3A_20 = arith.cmpi ne, %rem3A_17, %ne3A_19 : vector<500x20xi32>
    %and3A = arith.andi %ne3A_16, %ne3A_20 : vector<500x20xi1>
    %sub3A = arith.constant 1 : i32
    %sub3A_21 = vector.broadcast %sub3A : i32 to vector<500x20xi32>
    %sub3A_22 = arith.subi %div3A_0, %sub3A_21 : vector<500x20xi32>
    %select_n3A = arith.select %and3A, %sub3A_22, %div3A_0 : vector<500x20xi1>, vector<500x20xi32>
    %iota3A_23 = tpu.iota {dimensions = array<i32: 1>} : vector<500x20xi32>
    %eq3A = arith.cmpi eq, %select_n3A, %iota3A_23 : vector<500x20xi32>
    %convert_element_type3A = arith.extui %eq3A : vector<500x20xi1> to vector<500x20xi32>
    %convert_element_type3A_24 = arith.sitofp %convert_element_type3A : vector<500x20xi32> to vector<500x20xf32>
    %iota3A_25 = tpu.iota {dimensions = array<i32: 0>} : vector<128x2xi32>
    %iota3A_26 = tpu.iota {dimensions = array<i32: 1>} : vector<128x2xi32>
    %mul3A = arith.constant 64 : i32
    %mul3A_27 = vector.broadcast %mul3A : i32 to vector<128x2xi32>
    %mul3A_28 = arith.muli %iota3A_26, %mul3A_27 : vector<128x2xi32>
    %ge3A = arith.cmpi sge, %iota3A_25, %mul3A_28 : vector<128x2xi32>
    %mul3A_29 = arith.constant 64 : i32
    %mul3A_30 = vector.broadcast %mul3A_29 : i32 to vector<128x2xi32>
    %mul3A_31 = arith.muli %iota3A_26, %mul3A_30 : vector<128x2xi32>
    %add3A = arith.constant 16 : i32
    %add3A_32 = vector.broadcast %add3A : i32 to vector<128x2xi32>
    %add3A_33 = arith.addi %mul3A_31, %add3A_32 : vector<128x2xi32>
    %lt3A = arith.cmpi slt, %iota3A_25, %add3A_33 : vector<128x2xi32>
    %and3A_34 = arith.andi %ge3A, %lt3A : vector<128x2xi1>
    %convert_element_type3A_35 = arith.extui %and3A_34 : vector<128x2xi1> to vector<128x2xi32>
    %convert_element_type3A_36 = arith.sitofp %convert_element_type3A_35 : vector<128x2xi32> to vector<128x2xf32>
    %broadcast_in_dim3A = arith.constant 0.000000e+00 : f32
    %broadcast_in_dim3A_37 = vector.broadcast %broadcast_in_dim3A : f32 to vector<20x48xf32>
    %broadcast_in_dim3A_38 = arith.constant 0.000000e+00 : f32
    %broadcast_in_dim3A_39 = vector.broadcast %broadcast_in_dim3A_38 : f32 to vector<16x128xf32>
    %broadcast_in_dim3A_40 = arith.constant 0.000000e+00 : f32
    %broadcast_in_dim3A_41 = vector.broadcast %broadcast_in_dim3A_40 : f32 to vector<16x128xf32>
    %broadcast_in_dim3A_42 = arith.constant 0.000000e+00 : f32
    %broadcast_in_dim3A_43 = vector.broadcast %broadcast_in_dim3A_42 : f32 to vector<32x48xf32>
    %get3A = arith.constant 0 : index
    %get3A_44 = arith.constant 0 : index
    %get3A_45 = vector.load %arg1[%get3A, %get3A_44] : memref<8000x128xf32, #tpu.memory_space<vmem>>, vector<500x128xf32>
    %get3A_46 = arith.constant 0 : index
    %get3A_47 = arith.constant 0 : index
    %get3A_48 = arith.constant 0 : index
    %get3A_49 = vector.load %arg3[%get3A_46, %get3A_47, %get3A_48] : memref<16x32x16xf32, #tpu.memory_space<vmem>>, vector<1x32x16xf32>
    %get3A_50 = vector.shape_cast %get3A_49 : vector<1x32x16xf32> to vector<32x16xf32>
    %broadcast_in_dim3A_51 = arith.constant 0.000000e+00 : f32
    %broadcast_in_dim3A_52 = vector.broadcast %broadcast_in_dim3A_51 : f32 to vector<32x64xf32>
    %concatenate3A = tpu.concatenate %get3A_50, %broadcast_in_dim3A_43, %broadcast_in_dim3A_52 in 1 : vector<32x16xf32>, vector<32x48xf32>, vector<32x64xf32> -> vector<32x128xf32>
    %broadcast_in_dim3A_53 = arith.constant 0.000000e+00 : f32
    %broadcast_in_dim3A_54 = vector.broadcast %broadcast_in_dim3A_53 : f32 to vector<32x64xf32>
    %concatenate3A_55 = tpu.concatenate %broadcast_in_dim3A_54, %get3A_50, %broadcast_in_dim3A_43 in 1 : vector<32x64xf32>, vector<32x16xf32>, vector<32x48xf32> -> vector<32x128xf32>
    %concatenate3A_56 = tpu.concatenate %broadcast_in_dim3A_39, %concatenate3A, %broadcast_in_dim3A_41, %broadcast_in_dim3A_39, %concatenate3A_55, %broadcast_in_dim3A_41 in 0 : vector<16x128xf32>, vector<32x128xf32>, vector<16x128xf32>, vector<16x128xf32>, vector<32x128xf32>, vector<16x128xf32> -> vector<128x128xf32>
    %get3A_57 = arith.constant 0 : index
    %get3A_58 = arith.constant 0 : index
    %get3A_59 = arith.constant 0 : index
    %get3A_60 = vector.load %arg2[%get3A_57, %get3A_58, %get3A_59] : memref<16x20x16xf32, #tpu.memory_space<vmem>>, vector<1x20x16xf32>
    %get3A_61 = vector.shape_cast %get3A_60 : vector<1x20x16xf32> to vector<20x16xf32>
    %get3A_62 = arith.constant 0 : index
    %get3A_63 = arith.constant 0 : index
    %get3A_64 = arith.constant 0 : index
    %get3A_65 = vector.load %arg2[%get3A_62, %get3A_63, %get3A_64] : memref<16x20x16xf32, #tpu.memory_space<vmem>>, vector<1x20x16xf32>
    %get3A_66 = vector.shape_cast %get3A_65 : vector<1x20x16xf32> to vector<20x16xf32>
    %concatenate3A_67 = tpu.concatenate %get3A_61, %broadcast_in_dim3A_37, %get3A_66, %broadcast_in_dim3A_37 in 1 : vector<20x16xf32>, vector<20x48xf32>, vector<20x16xf32>, vector<20x48xf32> -> vector<20x128xf32>
    %dot_general3A = arith.constant dense<0.000000e+00> : vector<500x128xf32>
    %dot_general3A_68 = tpu.matmul %convert_element_type3A_24, %concatenate3A_67, %dot_general3A {dimension_numbers = #tpu.dot_dimension_numbers<[1], [0], [0], [1], [0, 0, 1, 1], [], []>, transpose_lhs_hint = false} : vector<500x20xf32>, vector<20x128xf32>, vector<500x128xf32> -> vector<500x128xf32>
    %dot_general3A_69 = arith.constant dense<0.000000e+00> : vector<500x128xf32>
    %dot_general3A_70 = tpu.matmul %get3A_45, %concatenate3A_56, %dot_general3A_69 {dimension_numbers = #tpu.dot_dimension_numbers<[1], [0], [0], [1], [0, 0, 1, 1], [], []>, transpose_lhs_hint = false} : vector<500x128xf32>, vector<128x128xf32>, vector<500x128xf32> -> vector<500x128xf32>
    %mul3A_71 = arith.mulf %get3A_45, %dot_general3A_68 : vector<500x128xf32>
    %mul3A_72 = arith.mulf %mul3A_71, %dot_general3A_70 : vector<500x128xf32>
    %dot_general3A_73 = arith.constant dense<0.000000e+00> : vector<500x2xf32>
    %dot_general3A_74 = tpu.matmul %mul3A_72, %convert_element_type3A_36, %dot_general3A_73 {dimension_numbers = #tpu.dot_dimension_numbers<[1], [0], [0], [1], [0, 0, 1, 1], [], []>, transpose_lhs_hint = false} : vector<500x128xf32>, vector<128x2xf32>, vector<500x2xf32> -> vector<500x2xf32>
    %dot_general3A_75 = arith.constant dense<0.000000e+00> : vector<500x2xf32>
    %dot_general3A_76 = tpu.matmul %mul3A_71, %convert_element_type3A_36, %dot_general3A_75 {dimension_numbers = #tpu.dot_dimension_numbers<[1], [0], [0], [1], [0, 0, 1, 1], [], []>, transpose_lhs_hint = false} : vector<500x128xf32>, vector<128x2xf32>, vector<500x2xf32> -> vector<500x2xf32>
    %div3A_77 = arith.divf %dot_general3A_74, %dot_general3A_76 : vector<500x2xf32>
    %swap3A = arith.constant 0 : index
    %swap3A_78 = arith.constant 0 : index
    %swap3A_79 = arith.constant 0 : index
    %swap3A_80 = vector.load %arg4[%swap3A, %swap3A_78, %swap3A_79] : memref<16x500x2xf32, #tpu.memory_space<vmem>>, vector<1x500x2xf32>
    %swap3A_81 = vector.shape_cast %swap3A_80 : vector<1x500x2xf32> to vector<500x2xf32>
    %swap3A_82 = vector.shape_cast %div3A_77 : vector<500x2xf32> to vector<1x500x2xf32>
    tpu.vector_store %arg4[%swap3A, %swap3A_78, %swap3A_79], %swap3A_82 {strides = array<i32>} : memref<16x500x2xf32, #tpu.memory_space<vmem>>, vector<1x500x2xf32>,
    %get3A_83 = arith.constant 500 : index
    %get3A_84 = arith.constant 0 : index
    %get3A_85 = vector.load %arg1[%get3A_83, %get3A_84] : memref<8000x128xf32, #tpu.memory_space<vmem>>, vector<500x128xf32>
    %get3A_86 = arith.constant 1 : index
    %get3A_87 = arith.constant 0 : index
    %get3A_88 = arith.constant 0 : index
    %get3A_89 = vector.load %arg3[%get3A_86, %get3A_87, %get3A_88] : memref<16x32x16xf32, #tpu.memory_space<vmem>>, vector<1x32x16xf32>
    %get3A_90 = vector.shape_cast %get3A_89 : vector<1x32x16xf32> to vector<32x16xf32>
    %broadcast_in_dim3A_91 = arith.constant 0.000000e+00 : f32
    %broadcast_in_dim3A_92 = vector.broadcast %broadcast_in_dim3A_91 : f32 to vector<32x64xf32>
    %concatenate3A_93 = tpu.concatenate %get3A_90, %broadcast_in_dim3A_43, %broadcast_in_dim3A_92 in 1 : vector<32x16xf32>, vector<32x48xf32>, vector<32x64xf32> -> vector<32x128xf32>
    %broadcast_in_dim3A_94 = arith.constant 0.000000e+00 : f32
    %broadcast_in_dim3A_95 = vector.broadcast %broadcast_in_dim3A_94 : f32 to vector<32x64xf32>
    %concatenate3A_96 = tpu.concatenate %broadcast_in_dim3A_95, %get3A_90, %broadcast_in_dim3A_43 in 1 : vector<32x64xf32>, vector<32x16xf32>, vector<32x48xf32> -> vector<32x128xf32>
    %concatenate3A_97 = tpu.concatenate %broadcast_in_dim3A_39, %concatenate3A_93, %broadcast_in_dim3A_41, %broadcast_in_dim3A_39, %concatenate3A_96, %broadcast_in_dim3A_41 in 0 : vector<16x128xf32>, vector<32x128xf32>, vector<16x128xf32>, vector<16x128xf32>, vector<32x128xf32>, vector<16x128xf32> -> vector<128x128xf32>
    %get3A_98 = arith.constant 1 : index
    %get3A_99 = arith.constant 0 : index
    %get3A_100 = arith.constant 0 : index
    %get3A_101 = vector.load %arg2[%get3A_98, %get3A_99, %get3A_100] : memref<16x20x16xf32, #tpu.memory_space<vmem>>, vector<1x20x16xf32>
    %get3A_102 = vector.shape_cast %get3A_101 : vector<1x20x16xf32> to vector<20x16xf32>
    %get3A_103 = arith.constant 1 : index
    %get3A_104 = arith.constant 0 : index
    %get3A_105 = arith.constant 0 : index
    %get3A_106 = vector.load %arg2[%get3A_103, %get3A_104, %get3A_105] : memref<16x20x16xf32, #tpu.memory_space<vmem>>, vector<1x20x16xf32>
    %get3A_107 = vector.shape_cast %get3A_106 : vector<1x20x16xf32> to vector<20x16xf32>
    %concatenate3A_108 = tpu.concatenate %get3A_102, %broadcast_in_dim3A_37, %get3A_107, %broadcast_in_dim3A_37 in 1 : vector<20x16xf32>, vector<20x48xf32>, vector<20x16xf32>, vector<20x48xf32> -> vector<20x128xf32>
    %dot_general3A_109 = arith.constant dense<0.000000e+00> : vector<500x128xf32>
    %dot_general3A_110 = tpu.matmul %convert_element_type3A_24, %concatenate3A_108, %dot_general3A_109 {dimension_numbers = #tpu.dot_dimension_numbers<[1], [0], [0], [1], [0, 0, 1, 1], [], []>, transpose_lhs_hint = false} : vector<500x20xf32>, vector<20x128xf32>, vector<500x128xf32> -> vector<500x128xf32>
    %dot_general3A_111 = arith.constant dense<0.000000e+00> : vector<500x128xf32>
    %dot_general3A_112 = tpu.matmul %get3A_85, %concatenate3A_97, %dot_general3A_111 {dimension_numbers = #tpu.dot_dimension_numbers<[1], [0], [0], [1], [0, 0, 1, 1], [], []>, transpose_lhs_hint = false} : vector<500x128xf32>, vector<128x128xf32>, vector<500x128xf32> -> vector<500x128xf32>
    %mul3A_113 = arith.mulf %get3A_85, %dot_general3A_110 : vector<500x128xf32>
    %mul3A_114 = arith.mulf %mul3A_113, %dot_general3A_112 : vector<500x128xf32>
    %dot_general3A_115 = arith.constant dense<0.000000e+00> : vector<500x2xf32>
    %dot_general3A_116 = tpu.matmul %mul3A_114, %convert_element_type3A_36, %dot_general3A_115 {dimension_numbers = #tpu.dot_dimension_numbers<[1], [0], [0], [1], [0, 0, 1, 1], [], []>, transpose_lhs_hint = false} : vector<500x128xf32>, vector<128x2xf32>, vector<500x2xf32> -> vector<500x2xf32>
    %dot_general3A_117 = arith.constant dense<0.000000e+00> : vector<500x2xf32>
    %dot_general3A_118 = tpu.matmul %mul3A_113, %convert_element_type3A_36, %dot_general3A_117 {dimension_numbers = #tpu.dot_dimension_numbers<[1], [0], [0], [1], [0, 0, 1, 1], [], []>, transpose_lhs_hint = false} : vector<500x128xf32>, vector<128x2xf32>, vector<500x2xf32> -> vector<500x2xf32>
    %div3A_119 = arith.divf %dot_general3A_116, %dot_general3A_118 : vector<500x2xf32>
    %swap3A_120 = arith.constant 1 : index
    %swap3A_121 = arith.constant 0 : index
    %swap3A_122 = arith.constant 0 : index
    %swap3A_123 = vector.load %arg4[%swap3A_120, %swap3A_121, %swap3A_122] : memref<16x500x2xf32, #tpu.memory_space<vmem>>, vector<1x500x2xf32>
    %swap3A_124 = vector.shape_cast %swap3A_123 : vector<1x500x2xf32> to vector<500x2xf32>
    %swap3A_125 = vector.shape_cast %div3A_119 : vector<500x2xf32> to vector<1x500x2xf32>
    tpu.vector_store %arg4[%swap3A_120, %swap3A_121, %swap3A_122], %swap3A_125 {strides = array<i32>} : memref<16x500x2xf32, #tpu.memory_space<vmem>>, vector<1x500x2xf32>,
    %get3A_126 = arith.constant 1000 : index
    %get3A_127 = arith.constant 0 : index
    %get3A_128 = vector.load %arg1[%get3A_126, %get3A_127] : memref<8000x128xf32, #tpu.memory_space<vmem>>, vector<500x128xf32>
    %get3A_129 = arith.constant 2 : index
    %get3A_130 = arith.constant 0 : index
    %get3A_131 = arith.constant 0 : index
    %get3A_132 = vector.load %arg3[%get3A_129, %get3A_130, %get3A_131] : memref<16x32x16xf32, #tpu.memory_space<vmem>>, vector<1x32x16xf32>
    %get3A_133 = vector.shape_cast %get3A_132 : vector<1x32x16xf32> to vector<32x16xf32>
    %broadcast_in_dim3A_134 = arith.constant 0.000000e+00 : f32
    %broadcast_in_dim3A_135 = vector.broadcast %broadcast_in_dim3A_134 : f32 to vector<32x64xf32>
    %concatenate3A_136 = tpu.concatenate %get3A_133, %broadcast_in_dim3A_43, %broadcast_in_dim3A_135 in 1 : vector<32x16xf32>, vector<32x48xf32>, vector<32x64xf32> -> vector<32x128xf32>
    %broadcast_in_dim3A_137 = arith.constant 0.000000e+00 : f32
    %broadcast_in_dim3A_138 = vector.broadcast %broadcast_in_dim3A_137 : f32 to vector<32x64xf32>
    %concatenate3A_139 = tpu.concatenate %broadcast_in_dim3A_138, %get3A_133, %broadcast_in_dim3A_43 in 1 : vector<32x64xf32>, vector<32x16xf32>, vector<32x48xf32> -> vector<32x128xf32>
    %concatenate3A_140 = tpu.concatenate %broadcast_in_dim3A_39, %concatenate3A_136, %broadcast_in_dim3A_41, %broadcast_in_dim3A_39, %concatenate3A_139, %broadcast_in_dim3A_41 in 0 : vector<16x128xf32>, vector<32x128xf32>, vector<16x128xf32>, vector<16x128xf32>, vector<32x128xf32>, vector<16x128xf32> -> vector<128x128xf32>
    %get3A_141 = arith.constant 2 : index
    %get3A_142 = arith.constant 0 : index
    %get3A_143 = arith.constant 0 : index
    %get3A_144 = vector.load %arg2[%get3A_141, %get3A_142, %get3A_143] : memref<16x20x16xf32, #tpu.memory_space<vmem>>, vector<1x20x16xf32>
    %get3A_145 = vector.shape_cast %get3A_144 : vector<1x20x16xf32> to vector<20x16xf32>
    %get3A_146 = arith.constant 2 : index
    %get3A_147 = arith.constant 0 : index
    %get3A_148 = arith.constant 0 : index
    %get3A_149 = vector.load %arg2[%get3A_146, %get3A_147, %get3A_148] : memref<16x20x16xf32, #tpu.memory_space<vmem>>, vector<1x20x16xf32>
    %get3A_150 = vector.shape_cast %get3A_149 : vector<1x20x16xf32> to vector<20x16xf32>
    %concatenate3A_151 = tpu.concatenate %get3A_145, %broadcast_in_dim3A_37, %get3A_150, %broadcast_in_dim3A_37 in 1 : vector<20x16xf32>, vector<20x48xf32>, vector<20x16xf32>, vector<20x48xf32> -> vector<20x128xf32>
    %dot_general3A_152 = arith.constant dense<0.000000e+00> : vector<500x128xf32>
    %dot_general3A_153 = tpu.matmul %convert_element_type3A_24, %concatenate3A_151, %dot_general3A_152 {dimension_numbers = #tpu.dot_dimension_numbers<[1], [0], [0], [1], [0, 0, 1, 1], [], []>, transpose_lhs_hint = false} : vector<500x20xf32>, vector<20x128xf32>, vector<500x128xf32> -> vector<500x128xf32>
    %dot_general3A_154 = arith.constant dense<0.000000e+00> : vector<500x128xf32>
    %dot_general3A_155 = tpu.matmul %get3A_128, %concatenate3A_140, %dot_general3A_154 {dimension_numbers = #tpu.dot_dimension_numbers<[1], [0], [0], [1], [0, 0, 1, 1], [], []>, transpose_lhs_hint = false} : vector<500x128xf32>, vector<128x128xf32>, vector<500x128xf32> -> vector<500x128xf32>
    %mul3A_156 = arith.mulf %get3A_128, %dot_general3A_153 : vector<500x128xf32>
    %mul3A_157 = arith.mulf %mul3A_156, %dot_general3A_155 : vector<500x128xf32>
    %dot_general3A_158 = arith.constant dense<0.000000e+00> : vector<500x2xf32>
    %dot_general3A_159 = tpu.matmul %mul3A_157, %convert_element_type3A_36, %dot_general3A_158 {dimension_numbers = #tpu.dot_dimension_numbers<[1], [0], [0], [1], [0, 0, 1, 1], [], []>, transpose_lhs_hint = false} : vector<500x128xf32>, vector<128x2xf32>, vector<500x2xf32> -> vector<500x2xf32>
    %dot_general3A_160 = arith.constant dense<0.000000e+00> : vector<500x2xf32>
    %dot_general3A_161 = tpu.matmul %mul3A_156, %convert_element_type3A_36, %dot_general3A_160 {dimension_numbers = #tpu.dot_dimension_numbers<[1], [0], [0], [1], [0, 0, 1, 1], [], []>, transpose_lhs_hint = false} : vector<500x128xf32>, vector<128x2xf32>, vector<500x2xf32> -> vector<500x2xf32>
    %div3A_162 = arith.divf %dot_general3A_159, %dot_general3A_161 : vector<500x2xf32>
    %swap3A_163 = arith.constant 2 : index
    %swap3A_164 = arith.constant 0 : index
    %swap3A_165 = arith.constant 0 : index
    %swap3A_166 = vector.load %arg4[%swap3A_163, %swap3A_164, %swap3A_165] : memref<16x500x2xf32, #tpu.memory_space<vmem>>, vector<1x500x2xf32>
    %swap3A_167 = vector.shape_cast %swap3A_166 : vector<1x500x2xf32> to vector<500x2xf32>
    %swap3A_168 = vector.shape_cast %div3A_162 : vector<500x2xf32> to vector<1x500x2xf32>
    tpu.vector_store %arg4[%swap3A_163, %swap3A_164, %swap3A_165], %swap3A_168 {strides = array<i32>} : memref<16x500x2xf32, #tpu.memory_space<vmem>>, vector<1x500x2xf32>,
    %get3A_169 = arith.constant 1500 : index
    %get3A_170 = arith.constant 0 : index
    %get3A_171 = vector.load %arg1[%get3A_169, %get3A_170] : memref<8000x128xf32, #tpu.memory_space<vmem>>, vector<500x128xf32>
    %get3A_172 = arith.constant 3 : index
    %get3A_173 = arith.constant 0 : index
    %get3A_174 = arith.constant 0 : index
    %get3A_175 = vector.load %arg3[%get3A_172, %get3A_173, %get3A_174] : memref<16x32x16xf32, #tpu.memory_space<vmem>>, vector<1x32x16xf32>
    %get3A_176 = vector.shape_cast %get3A_175 : vector<1x32x16xf32> to vector<32x16xf32>
    %broadcast_in_dim3A_177 = arith.constant 0.000000e+00 : f32
    %broadcast_in_dim3A_178 = vector.broadcast %broadcast_in_dim3A_177 : f32 to vector<32x64xf32>
    %concatenate3A_179 = tpu.concatenate %get3A_176, %broadcast_in_dim3A_43, %broadcast_in_dim3A_178 in 1 : vector<32x16xf32>, vector<32x48xf32>, vector<32x64xf32> -> vector<32x128xf32>
    %broadcast_in_dim3A_180 = arith.constant 0.000000e+00 : f32
    %broadcast_in_dim3A_181 = vector.broadcast %broadcast_in_dim3A_180 : f32 to vector<32x64xf32>
    %concatenate3A_182 = tpu.concatenate %broadcast_in_dim3A_181, %get3A_176, %broadcast_in_dim3A_43 in 1 : vector<32x64xf32>, vector<32x16xf32>, vector<32x48xf32> -> vector<32x128xf32>
    %concatenate3A_183 = tpu.concatenate %broadcast_in_dim3A_39, %concatenate3A_179, %broadcast_in_dim3A_41, %broadcast_in_dim3A_39, %concatenate3A_182, %broadcast_in_dim3A_41 in 0 : vector<16x128xf32>, vector<32x128xf32>, vector<16x128xf32>, vector<16x128xf32>, vector<32x128xf32>, vector<16x128xf32> -> vector<128x128xf32>
    %get3A_184 = arith.constant 3 : index
    %get3A_185 = arith.constant 0 : index
    %get3A_186 = arith.constant 0 : index
    %get3A_187 = vector.load %arg2[%get3A_184, %get3A_185, %get3A_186] : memref<16x20x16xf32, #tpu.memory_space<vmem>>, vector<1x20x16xf32>
    %get3A_188 = vector.shape_cast %get3A_187 : vector<1x20x16xf32> to vector<20x16xf32>
    %get3A_189 = arith.constant 3 : index
    %get3A_190 = arith.constant 0 : index
    %get3A_191 = arith.constant 0 : index
    %get3A_192 = vector.load %arg2[%get3A_189, %get3A_190, %get3A_191] : memref<16x20x16xf32, #tpu.memory_space<vmem>>, vector<1x20x16xf32>
    %get3A_193 = vector.shape_cast %get3A_192 : vector<1x20x16xf32> to vector<20x16xf32>
    %concatenate3A_194 = tpu.concatenate %get3A_188, %broadcast_in_dim3A_37, %get3A_193, %broadcast_in_dim3A_37 in 1 : vector<20x16xf32>, vector<20x48xf32>, vector<20x16xf32>, vector<20x48xf32> -> vector<20x128xf32>
    %dot_general3A_195 = arith.constant dense<0.000000e+00> : vector<500x128xf32>
    %dot_general3A_196 = tpu.matmul %convert_element_type3A_24, %concatenate3A_194, %dot_general3A_195 {dimension_numbers = #tpu.dot_dimension_numbers<[1], [0], [0], [1], [0, 0, 1, 1], [], []>, transpose_lhs_hint = false} : vector<500x20xf32>, vector<20x128xf32>, vector<500x128xf32> -> vector<500x128xf32>
    %dot_general3A_197 = arith.constant dense<0.000000e+00> : vector<500x128xf32>
    %dot_general3A_198 = tpu.matmul %get3A_171, %concatenate3A_183, %dot_general3A_197 {dimension_numbers = #tpu.dot_dimension_numbers<[1], [0], [0], [1], [0, 0, 1, 1], [], []>, transpose_lhs_hint = false} : vector<500x128xf32>, vector<128x128xf32>, vector<500x128xf32> -> vector<500x128xf32>
    %mul3A_199 = arith.mulf %get3A_171, %dot_general3A_196 : vector<500x128xf32>
    %mul3A_200 = arith.mulf %mul3A_199, %dot_general3A_198 : vector<500x128xf32>
    %dot_general3A_201 = arith.constant dense<0.000000e+00> : vector<500x2xf32>
    %dot_general3A_202 = tpu.matmul %mul3A_200, %convert_element_type3A_36, %dot_general3A_201 {dimension_numbers = #tpu.dot_dimension_numbers<[1], [0], [0], [1], [0, 0, 1, 1], [], []>, transpose_lhs_hint = false} : vector<500x128xf32>, vector<128x2xf32>, vector<500x2xf32> -> vector<500x2xf32>
    %dot_general3A_203 = arith.constant dense<0.000000e+00> : vector<500x2xf32>
    %dot_general3A_204 = tpu.matmul %mul3A_199, %convert_element_type3A_36, %dot_general3A_203 {dimension_numbers = #tpu.dot_dimension_numbers<[1], [0], [0], [1], [0, 0, 1, 1], [], []>, transpose_lhs_hint = false} : vector<500x128xf32>, vector<128x2xf32>, vector<500x2xf32> -> vector<500x2xf32>
    %div3A_205 = arith.divf %dot_general3A_202, %dot_general3A_204 : vector<500x2xf32>
    %swap3A_206 = arith.constant 3 : index
    %swap3A_207 = arith.constant 0 : index
    %swap3A_208 = arith.constant 0 : index
    %swap3A_209 = vector.load %arg4[%swap3A_206, %swap3A_207, %swap3A_208] : memref<16x500x2xf32, #tpu.memory_space<vmem>>, vector<1x500x2xf32>
    %swap3A_210 = vector.shape_cast %swap3A_209 : vector<1x500x2xf32> to vector<500x2xf32>
    %swap3A_211 = vector.shape_cast %div3A_205 : vector<500x2xf32> to vector<1x500x2xf32>
    tpu.vector_store %arg4[%swap3A_206, %swap3A_207, %swap3A_208], %swap3A_211 {strides = array<i32>} : memref<16x500x2xf32, #tpu.memory_space<vmem>>, vector<1x500x2xf32>,
    %get3A_212 = arith.constant 2000 : index
    %get3A_213 = arith.constant 0 : index
    %get3A_214 = vector.load %arg1[%get3A_212, %get3A_213] : memref<8000x128xf32, #tpu.memory_space<vmem>>, vector<500x128xf32>
    %get3A_215 = arith.constant 4 : index
    %get3A_216 = arith.constant 0 : index
    %get3A_217 = arith.constant 0 : index
    %get3A_218 = vector.load %arg3[%get3A_215, %get3A_216, %get3A_217] : memref<16x32x16xf32, #tpu.memory_space<vmem>>, vector<1x32x16xf32>
    %get3A_219 = vector.shape_cast %get3A_218 : vector<1x32x16xf32> to vector<32x16xf32>
    %broadcast_in_dim3A_220 = arith.constant 0.000000e+00 : f32
    %broadcast_in_dim3A_221 = vector.broadcast %broadcast_in_dim3A_220 : f32 to vector<32x64xf32>
    %concatenate3A_222 = tpu.concatenate %get3A_219, %broadcast_in_dim3A_43, %broadcast_in_dim3A_221 in 1 : vector<32x16xf32>, vector<32x48xf32>, vector<32x64xf32> -> vector<32x128xf32>
    %broadcast_in_dim3A_223 = arith.constant 0.000000e+00 : f32
    %broadcast_in_dim3A_224 = vector.broadcast %broadcast_in_dim3A_223 : f32 to vector<32x64xf32>
    %concatenate3A_225 = tpu.concatenate %broadcast_in_dim3A_224, %get3A_219, %broadcast_in_dim3A_43 in 1 : vector<32x64xf32>, vector<32x16xf32>, vector<32x48xf32> -> vector<32x128xf32>
    %concatenate3A_226 = tpu.concatenate %broadcast_in_dim3A_39, %concatenate3A_222, %broadcast_in_dim3A_41, %broadcast_in_dim3A_39, %concatenate3A_225, %broadcast_in_dim3A_41 in 0 : vector<16x128xf32>, vector<32x128xf32>, vector<16x128xf32>, vector<16x128xf32>, vector<32x128xf32>, vector<16x128xf32> -> vector<128x128xf32>
    %get3A_227 = arith.constant 4 : index
    %get3A_228 = arith.constant 0 : index
    %get3A_229 = arith.constant 0 : index
    %get3A_230 = vector.load %arg2[%get3A_227, %get3A_228, %get3A_229] : memref<16x20x16xf32, #tpu.memory_space<vmem>>, vector<1x20x16xf32>
    %get3A_231 = vector.shape_cast %get3A_230 : vector<1x20x16xf32> to vector<20x16xf32>
    %get3A_232 = arith.constant 4 : index
    %get3A_233 = arith.constant 0 : index
    %get3A_234 = arith.constant 0 : index
    %get3A_235 = vector.load %arg2[%get3A_232, %get3A_233, %get3A_234] : memref<16x20x16xf32, #tpu.memory_space<vmem>>, vector<1x20x16xf32>
    %get3A_236 = vector.shape_cast %get3A_235 : vector<1x20x16xf32> to vector<20x16xf32>
    %concatenate3A_237 = tpu.concatenate %get3A_231, %broadcast_in_dim3A_37, %get3A_236, %broadcast_in_dim3A_37 in 1 : vector<20x16xf32>, vector<20x48xf32>, vector<20x16xf32>, vector<20x48xf32> -> vector<20x128xf32>
    %dot_general3A_238 = arith.constant dense<0.000000e+00> : vector<500x128xf32>
    %dot_general3A_239 = tpu.matmul %convert_element_type3A_24, %concatenate3A_237, %dot_general3A_238 {dimension_numbers = #tpu.dot_dimension_numbers<[1], [0], [0], [1], [0, 0, 1, 1], [], []>, transpose_lhs_hint = false} : vector<500x20xf32>, vector<20x128xf32>, vector<500x128xf32> -> vector<500x128xf32>
    %dot_general3A_240 = arith.constant dense<0.000000e+00> : vector<500x128xf32>
    %dot_general3A_241 = tpu.matmul %get3A_214, %concatenate3A_226, %dot_general3A_240 {dimension_numbers = #tpu.dot_dimension_numbers<[1], [0], [0], [1], [0, 0, 1, 1], [], []>, transpose_lhs_hint = false} : vector<500x128xf32>, vector<128x128xf32>, vector<500x128xf32> -> vector<500x128xf32>
    %mul3A_242 = arith.mulf %get3A_214, %dot_general3A_239 : vector<500x128xf32>
    %mul3A_243 = arith.mulf %mul3A_242, %dot_general3A_241 : vector<500x128xf32>
    %dot_general3A_244 = arith.constant dense<0.000000e+00> : vector<500x2xf32>
    %dot_general3A_245 = tpu.matmul %mul3A_243, %convert_element_type3A_36, %dot_general3A_244 {dimension_numbers = #tpu.dot_dimension_numbers<[1], [0], [0], [1], [0, 0, 1, 1], [], []>, transpose_lhs_hint = false} : vector<500x128xf32>, vector<128x2xf32>, vector<500x2xf32> -> vector<500x2xf32>
    %dot_general3A_246 = arith.constant dense<0.000000e+00> : vector<500x2xf32>
    %dot_general3A_247 = tpu.matmul %mul3A_242, %convert_element_type3A_36, %dot_general3A_246 {dimension_numbers = #tpu.dot_dimension_numbers<[1], [0], [0], [1], [0, 0, 1, 1], [], []>, transpose_lhs_hint = false} : vector<500x128xf32>, vector<128x2xf32>, vector<500x2xf32> -> vector<500x2xf32>
    %div3A_248 = arith.divf %dot_general3A_245, %dot_general3A_247 : vector<500x2xf32>
    %swap3A_249 = arith.constant 4 : index
    %swap3A_250 = arith.constant 0 : index
    %swap3A_251 = arith.constant 0 : index
    %swap3A_252 = vector.load %arg4[%swap3A_249, %swap3A_250, %swap3A_251] : memref<16x500x2xf32, #tpu.memory_space<vmem>>, vector<1x500x2xf32>
    %swap3A_253 = vector.shape_cast %swap3A_252 : vector<1x500x2xf32> to vector<500x2xf32>
    %swap3A_254 = vector.shape_cast %div3A_248 : vector<500x2xf32> to vector<1x500x2xf32>
    tpu.vector_store %arg4[%swap3A_249, %swap3A_250, %swap3A_251], %swap3A_254 {strides = array<i32>} : memref<16x500x2xf32, #tpu.memory_space<vmem>>, vector<1x500x2xf32>,
    %get3A_255 = arith.constant 2500 : index
    %get3A_256 = arith.constant 0 : index
    %get3A_257 = vector.load %arg1[%get3A_255, %get3A_256] : memref<8000x128xf32, #tpu.memory_space<vmem>>, vector<500x128xf32>
    %get3A_258 = arith.constant 5 : index
    %get3A_259 = arith.constant 0 : index
    %get3A_260 = arith.constant 0 : index
    %get3A_261 = vector.load %arg3[%get3A_258, %get3A_259, %get3A_260] : memref<16x32x16xf32, #tpu.memory_space<vmem>>, vector<1x32x16xf32>
    %get3A_262 = vector.shape_cast %get3A_261 : vector<1x32x16xf32> to vector<32x16xf32>
    %broadcast_in_dim3A_263 = arith.constant 0.000000e+00 : f32
    %broadcast_in_dim3A_264 = vector.broadcast %broadcast_in_dim3A_263 : f32 to vector<32x64xf32>
    %concatenate3A_265 = tpu.concatenate %get3A_262, %broadcast_in_dim3A_43, %broadcast_in_dim3A_264 in 1 : vector<32x16xf32>, vector<32x48xf32>, vector<32x64xf32> -> vector<32x128xf32>
    %broadcast_in_dim3A_266 = arith.constant 0.000000e+00 : f32
    %broadcast_in_dim3A_267 = vector.broadcast %broadcast_in_dim3A_266 : f32 to vector<32x64xf32>
    %concatenate3A_268 = tpu.concatenate %broadcast_in_dim3A_267, %get3A_262, %broadcast_in_dim3A_43 in 1 : vector<32x64xf32>, vector<32x16xf32>, vector<32x48xf32> -> vector<32x128xf32>
    %concatenate3A_269 = tpu.concatenate %broadcast_in_dim3A_39, %concatenate3A_265, %broadcast_in_dim3A_41, %broadcast_in_dim3A_39, %concatenate3A_268, %broadcast_in_dim3A_41 in 0 : vector<16x128xf32>, vector<32x128xf32>, vector<16x128xf32>, vector<16x128xf32>, vector<32x128xf32>, vector<16x128xf32> -> vector<128x128xf32>
    %get3A_270 = arith.constant 5 : index
    %get3A_271 = arith.constant 0 : index
    %get3A_272 = arith.constant 0 : index
    %get3A_273 = vector.load %arg2[%get3A_270, %get3A_271, %get3A_272] : memref<16x20x16xf32, #tpu.memory_space<vmem>>, vector<1x20x16xf32>
    %get3A_274 = vector.shape_cast %get3A_273 : vector<1x20x16xf32> to vector<20x16xf32>
    %get3A_275 = arith.constant 5 : index
    %get3A_276 = arith.constant 0 : index
    %get3A_277 = arith.constant 0 : index
    %get3A_278 = vector.load %arg2[%get3A_275, %get3A_276, %get3A_277] : memref<16x20x16xf32, #tpu.memory_space<vmem>>, vector<1x20x16xf32>
    %get3A_279 = vector.shape_cast %get3A_278 : vector<1x20x16xf32> to vector<20x16xf32>
    %concatenate3A_280 = tpu.concatenate %get3A_274, %broadcast_in_dim3A_37, %get3A_279, %broadcast_in_dim3A_37 in 1 : vector<20x16xf32>, vector<20x48xf32>, vector<20x16xf32>, vector<20x48xf32> -> vector<20x128xf32>
    %dot_general3A_281 = arith.constant dense<0.000000e+00> : vector<500x128xf32>
    %dot_general3A_282 = tpu.matmul %convert_element_type3A_24, %concatenate3A_280, %dot_general3A_281 {dimension_numbers = #tpu.dot_dimension_numbers<[1], [0], [0], [1], [0, 0, 1, 1], [], []>, transpose_lhs_hint = false} : vector<500x20xf32>, vector<20x128xf32>, vector<500x128xf32> -> vector<500x128xf32>
    %dot_general3A_283 = arith.constant dense<0.000000e+00> : vector<500x128xf32>
    %dot_general3A_284 = tpu.matmul %get3A_257, %concatenate3A_269, %dot_general3A_283 {dimension_numbers = #tpu.dot_dimension_numbers<[1], [0], [0], [1], [0, 0, 1, 1], [], []>, transpose_lhs_hint = false} : vector<500x128xf32>, vector<128x128xf32>, vector<500x128xf32> -> vector<500x128xf32>
    %mul3A_285 = arith.mulf %get3A_257, %dot_general3A_282 : vector<500x128xf32>
    %mul3A_286 = arith.mulf %mul3A_285, %dot_general3A_284 : vector<500x128xf32>
    %dot_general3A_287 = arith.constant dense<0.000000e+00> : vector<500x2xf32>
    %dot_general3A_288 = tpu.matmul %mul3A_286, %convert_element_type3A_36, %dot_general3A_287 {dimension_numbers = #tpu.dot_dimension_numbers<[1], [0], [0], [1], [0, 0, 1, 1], [], []>, transpose_lhs_hint = false} : vector<500x128xf32>, vector<128x2xf32>, vector<500x2xf32> -> vector<500x2xf32>
    %dot_general3A_289 = arith.constant dense<0.000000e+00> : vector<500x2xf32>
    %dot_general3A_290 = tpu.matmul %mul3A_285, %convert_element_type3A_36, %dot_general3A_289 {dimension_numbers = #tpu.dot_dimension_numbers<[1], [0], [0], [1], [0, 0, 1, 1], [], []>, transpose_lhs_hint = false} : vector<500x128xf32>, vector<128x2xf32>, vector<500x2xf32> -> vector<500x2xf32>
    %div3A_291 = arith.divf %dot_general3A_288, %dot_general3A_290 : vector<500x2xf32>
    %swap3A_292 = arith.constant 5 : index
    %swap3A_293 = arith.constant 0 : index
    %swap3A_294 = arith.constant 0 : index
    %swap3A_295 = vector.load %arg4[%swap3A_292, %swap3A_293, %swap3A_294] : memref<16x500x2xf32, #tpu.memory_space<vmem>>, vector<1x500x2xf32>
    %swap3A_296 = vector.shape_cast %swap3A_295 : vector<1x500x2xf32> to vector<500x2xf32>
    %swap3A_297 = vector.shape_cast %div3A_291 : vector<500x2xf32> to vector<1x500x2xf32>
    tpu.vector_store %arg4[%swap3A_292, %swap3A_293, %swap3A_294], %swap3A_297 {strides = array<i32>} : memref<16x500x2xf32, #tpu.memory_space<vmem>>, vector<1x500x2xf32>,
    %get3A_298 = arith.constant 3000 : index
    %get3A_299 = arith.constant 0 : index
    %get3A_300 = vector.load %arg1[%get3A_298, %get3A_299] : memref<8000x128xf32, #tpu.memory_space<vmem>>, vector<500x128xf32>
    %get3A_301 = arith.constant 6 : index
    %get3A_302 = arith.constant 0 : index
    %get3A_303 = arith.constant 0 : index
    %get3A_304 = vector.load %arg3[%get3A_301, %get3A_302, %get3A_303] : memref<16x32x16xf32, #tpu.memory_space<vmem>>, vector<1x32x16xf32>
    %get3A_305 = vector.shape_cast %get3A_304 : vector<1x32x16xf32> to vector<32x16xf32>
    %broadcast_in_dim3A_306 = arith.constant 0.000000e+00 : f32
    %broadcast_in_dim3A_307 = vector.broadcast %broadcast_in_dim3A_306 : f32 to vector<32x64xf32>
    %concatenate3A_308 = tpu.concatenate %get3A_305, %broadcast_in_dim3A_43, %broadcast_in_dim3A_307 in 1 : vector<32x16xf32>, vector<32x48xf32>, vector<32x64xf32> -> vector<32x128xf32>
    %broadcast_in_dim3A_309 = arith.constant 0.000000e+00 : f32
    %broadcast_in_dim3A_310 = vector.broadcast %broadcast_in_dim3A_309 : f32 to vector<32x64xf32>
    %concatenate3A_311 = tpu.concatenate %broadcast_in_dim3A_310, %get3A_305, %broadcast_in_dim3A_43 in 1 : vector<32x64xf32>, vector<32x16xf32>, vector<32x48xf32> -> vector<32x128xf32>
    %concatenate3A_312 = tpu.concatenate %broadcast_in_dim3A_39, %concatenate3A_308, %broadcast_in_dim3A_41, %broadcast_in_dim3A_39, %concatenate3A_311, %broadcast_in_dim3A_41 in 0 : vector<16x128xf32>, vector<32x128xf32>, vector<16x128xf32>, vector<16x128xf32>, vector<32x128xf32>, vector<16x128xf32> -> vector<128x128xf32>
    %get3A_313 = arith.constant 6 : index
    %get3A_314 = arith.constant 0 : index
    %get3A_315 = arith.constant 0 : index
    %get3A_316 = vector.load %arg2[%get3A_313, %get3A_314, %get3A_315] : memref<16x20x16xf32, #tpu.memory_space<vmem>>, vector<1x20x16xf32>
    %get3A_317 = vector.shape_cast %get3A_316 : vector<1x20x16xf32> to vector<20x16xf32>
    %get3A_318 = arith.constant 6 : index
    %get3A_319 = arith.constant 0 : index
    %get3A_320 = arith.constant 0 : index
    %get3A_321 = vector.load %arg2[%get3A_318, %get3A_319, %get3A_320] : memref<16x20x16xf32, #tpu.memory_space<vmem>>, vector<1x20x16xf32>
    %get3A_322 = vector.shape_cast %get3A_321 : vector<1x20x16xf32> to vector<20x16xf32>
    %concatenate3A_323 = tpu.concatenate %get3A_317, %broadcast_in_dim3A_37, %get3A_322, %broadcast_in_dim3A_37 in 1 : vector<20x16xf32>, vector<20x48xf32>, vector<20x16xf32>, vector<20x48xf32> -> vector<20x128xf32>
    %dot_general3A_324 = arith.constant dense<0.000000e+00> : vector<500x128xf32>
    %dot_general3A_325 = tpu.matmul %convert_element_type3A_24, %concatenate3A_323, %dot_general3A_324 {dimension_numbers = #tpu.dot_dimension_numbers<[1], [0], [0], [1], [0, 0, 1, 1], [], []>, transpose_lhs_hint = false} : vector<500x20xf32>, vector<20x128xf32>, vector<500x128xf32> -> vector<500x128xf32>
    %dot_general3A_326 = arith.constant dense<0.000000e+00> : vector<500x128xf32>
    %dot_general3A_327 = tpu.matmul %get3A_300, %concatenate3A_312, %dot_general3A_326 {dimension_numbers = #tpu.dot_dimension_numbers<[1], [0], [0], [1], [0, 0, 1, 1], [], []>, transpose_lhs_hint = false} : vector<500x128xf32>, vector<128x128xf32>, vector<500x128xf32> -> vector<500x128xf32>
    %mul3A_328 = arith.mulf %get3A_300, %dot_general3A_325 : vector<500x128xf32>
    %mul3A_329 = arith.mulf %mul3A_328, %dot_general3A_327 : vector<500x128xf32>
    %dot_general3A_330 = arith.constant dense<0.000000e+00> : vector<500x2xf32>
    %dot_general3A_331 = tpu.matmul %mul3A_329, %convert_element_type3A_36, %dot_general3A_330 {dimension_numbers = #tpu.dot_dimension_numbers<[1], [0], [0], [1], [0, 0, 1, 1], [], []>, transpose_lhs_hint = false} : vector<500x128xf32>, vector<128x2xf32>, vector<500x2xf32> -> vector<500x2xf32>
    %dot_general3A_332 = arith.constant dense<0.000000e+00> : vector<500x2xf32>
    %dot_general3A_333 = tpu.matmul %mul3A_328, %convert_element_type3A_36, %dot_general3A_332 {dimension_numbers = #tpu.dot_dimension_numbers<[1], [0], [0], [1], [0, 0, 1, 1], [], []>, transpose_lhs_hint = false} : vector<500x128xf32>, vector<128x2xf32>, vector<500x2xf32> -> vector<500x2xf32>
    %div3A_334 = arith.divf %dot_general3A_331, %dot_general3A_333 : vector<500x2xf32>
    %swap3A_335 = arith.constant 6 : index
    %swap3A_336 = arith.constant 0 : index
    %swap3A_337 = arith.constant 0 : index
    %swap3A_338 = vector.load %arg4[%swap3A_335, %swap3A_336, %swap3A_337] : memref<16x500x2xf32, #tpu.memory_space<vmem>>, vector<1x500x2xf32>
    %swap3A_339 = vector.shape_cast %swap3A_338 : vector<1x500x2xf32> to vector<500x2xf32>
    %swap3A_340 = vector.shape_cast %div3A_334 : vector<500x2xf32> to vector<1x500x2xf32>
    tpu.vector_store %arg4[%swap3A_335, %swap3A_336, %swap3A_337], %swap3A_340 {strides = array<i32>} : memref<16x500x2xf32, #tpu.memory_space<vmem>>, vector<1x500x2xf32>,
    %get3A_341 = arith.constant 3500 : index
    %get3A_342 = arith.constant 0 : index
    %get3A_343 = vector.load %arg1[%get3A_341, %get3A_342] : memref<8000x128xf32, #tpu.memory_space<vmem>>, vector<500x128xf32>
    %get3A_344 = arith.constant 7 : index
    %get3A_345 = arith.constant 0 : index
    %get3A_346 = arith.constant 0 : index
    %get3A_347 = vector.load %arg3[%get3A_344, %get3A_345, %get3A_346] : memref<16x32x16xf32, #tpu.memory_space<vmem>>, vector<1x32x16xf32>
    %get3A_348 = vector.shape_cast %get3A_347 : vector<1x32x16xf32> to vector<32x16xf32>
    %broadcast_in_dim3A_349 = arith.constant 0.000000e+00 : f32
    %broadcast_in_dim3A_350 = vector.broadcast %broadcast_in_dim3A_349 : f32 to vector<32x64xf32>
    %concatenate3A_351 = tpu.concatenate %get3A_348, %broadcast_in_dim3A_43, %broadcast_in_dim3A_350 in 1 : vector<32x16xf32>, vector<32x48xf32>, vector<32x64xf32> -> vector<32x128xf32>
    %broadcast_in_dim3A_352 = arith.constant 0.000000e+00 : f32
    %broadcast_in_dim3A_353 = vector.broadcast %broadcast_in_dim3A_352 : f32 to vector<32x64xf32>
    %concatenate3A_354 = tpu.concatenate %broadcast_in_dim3A_353, %get3A_348, %broadcast_in_dim3A_43 in 1 : vector<32x64xf32>, vector<32x16xf32>, vector<32x48xf32> -> vector<32x128xf32>
    %concatenate3A_355 = tpu.concatenate %broadcast_in_dim3A_39, %concatenate3A_351, %broadcast_in_dim3A_41, %broadcast_in_dim3A_39, %concatenate3A_354, %broadcast_in_dim3A_41 in 0 : vector<16x128xf32>, vector<32x128xf32>, vector<16x128xf32>, vector<16x128xf32>, vector<32x128xf32>, vector<16x128xf32> -> vector<128x128xf32>
    %get3A_356 = arith.constant 7 : index
    %get3A_357 = arith.constant 0 : index
    %get3A_358 = arith.constant 0 : index
    %get3A_359 = vector.load %arg2[%get3A_356, %get3A_357, %get3A_358] : memref<16x20x16xf32, #tpu.memory_space<vmem>>, vector<1x20x16xf32>
    %get3A_360 = vector.shape_cast %get3A_359 : vector<1x20x16xf32> to vector<20x16xf32>
    %get3A_361 = arith.constant 7 : index
    %get3A_362 = arith.constant 0 : index
    %get3A_363 = arith.constant 0 : index
    %get3A_364 = vector.load %arg2[%get3A_361, %get3A_362, %get3A_363] : memref<16x20x16xf32, #tpu.memory_space<vmem>>, vector<1x20x16xf32>
    %get3A_365 = vector.shape_cast %get3A_364 : vector<1x20x16xf32> to vector<20x16xf32>
    %concatenate3A_366 = tpu.concatenate %get3A_360, %broadcast_in_dim3A_37, %get3A_365, %broadcast_in_dim3A_37 in 1 : vector<20x16xf32>, vector<20x48xf32>, vector<20x16xf32>, vector<20x48xf32> -> vector<20x128xf32>
    %dot_general3A_367 = arith.constant dense<0.000000e+00> : vector<500x128xf32>
    %dot_general3A_368 = tpu.matmul %convert_element_type3A_24, %concatenate3A_366, %dot_general3A_367 {dimension_numbers = #tpu.dot_dimension_numbers<[1], [0], [0], [1], [0, 0, 1, 1], [], []>, transpose_lhs_hint = false} : vector<500x20xf32>, vector<20x128xf32>, vector<500x128xf32> -> vector<500x128xf32>
    %dot_general3A_369 = arith.constant dense<0.000000e+00> : vector<500x128xf32>
    %dot_general3A_370 = tpu.matmul %get3A_343, %concatenate3A_355, %dot_general3A_369 {dimension_numbers = #tpu.dot_dimension_numbers<[1], [0], [0], [1], [0, 0, 1, 1], [], []>, transpose_lhs_hint = false} : vector<500x128xf32>, vector<128x128xf32>, vector<500x128xf32> -> vector<500x128xf32>
    %mul3A_371 = arith.mulf %get3A_343, %dot_general3A_368 : vector<500x128xf32>
    %mul3A_372 = arith.mulf %mul3A_371, %dot_general3A_370 : vector<500x128xf32>
    %dot_general3A_373 = arith.constant dense<0.000000e+00> : vector<500x2xf32>
    %dot_general3A_374 = tpu.matmul %mul3A_372, %convert_element_type3A_36, %dot_general3A_373 {dimension_numbers = #tpu.dot_dimension_numbers<[1], [0], [0], [1], [0, 0, 1, 1], [], []>, transpose_lhs_hint = false} : vector<500x128xf32>, vector<128x2xf32>, vector<500x2xf32> -> vector<500x2xf32>
    %dot_general3A_375 = arith.constant dense<0.000000e+00> : vector<500x2xf32>
    %dot_general3A_376 = tpu.matmul %mul3A_371, %convert_element_type3A_36, %dot_general3A_375 {dimension_numbers = #tpu.dot_dimension_numbers<[1], [0], [0], [1], [0, 0, 1, 1], [], []>, transpose_lhs_hint = false} : vector<500x128xf32>, vector<128x2xf32>, vector<500x2xf32> -> vector<500x2xf32>
    %div3A_377 = arith.divf %dot_general3A_374, %dot_general3A_376 : vector<500x2xf32>
    %swap3A_378 = arith.constant 7 : index
    %swap3A_379 = arith.constant 0 : index
    %swap3A_380 = arith.constant 0 : index
    %swap3A_381 = vector.load %arg4[%swap3A_378, %swap3A_379, %swap3A_380] : memref<16x500x2xf32, #tpu.memory_space<vmem>>, vector<1x500x2xf32>
    %swap3A_382 = vector.shape_cast %swap3A_381 : vector<1x500x2xf32> to vector<500x2xf32>
    %swap3A_383 = vector.shape_cast %div3A_377 : vector<500x2xf32> to vector<1x500x2xf32>
    tpu.vector_store %arg4[%swap3A_378, %swap3A_379, %swap3A_380], %swap3A_383 {strides = array<i32>} : memref<16x500x2xf32, #tpu.memory_space<vmem>>, vector<1x500x2xf32>,
    %get3A_384 = arith.constant 4000 : index
    %get3A_385 = arith.constant 0 : index
    %get3A_386 = vector.load %arg1[%get3A_384, %get3A_385] : memref<8000x128xf32, #tpu.memory_space<vmem>>, vector<500x128xf32>
    %get3A_387 = arith.constant 8 : index
    %get3A_388 = arith.constant 0 : index
    %get3A_389 = arith.constant 0 : index
    %get3A_390 = vector.load %arg3[%get3A_387, %get3A_388, %get3A_389] : memref<16x32x16xf32, #tpu.memory_space<vmem>>, vector<1x32x16xf32>
    %get3A_391 = vector.shape_cast %get3A_390 : vector<1x32x16xf32> to vector<32x16xf32>
    %broadcast_in_dim3A_392 = arith.constant 0.000000e+00 : f32
    %broadcast_in_dim3A_393 = vector.broadcast %broadcast_in_dim3A_392 : f32 to vector<32x64xf32>
    %concatenate3A_394 = tpu.concatenate %get3A_391, %broadcast_in_dim3A_43, %broadcast_in_dim3A_393 in 1 : vector<32x16xf32>, vector<32x48xf32>, vector<32x64xf32> -> vector<32x128xf32>
    %broadcast_in_dim3A_395 = arith.constant 0.000000e+00 : f32
    %broadcast_in_dim3A_396 = vector.broadcast %broadcast_in_dim3A_395 : f32 to vector<32x64xf32>
    %concatenate3A_397 = tpu.concatenate %broadcast_in_dim3A_396, %get3A_391, %broadcast_in_dim3A_43 in 1 : vector<32x64xf32>, vector<32x16xf32>, vector<32x48xf32> -> vector<32x128xf32>
    %concatenate3A_398 = tpu.concatenate %broadcast_in_dim3A_39, %concatenate3A_394, %broadcast_in_dim3A_41, %broadcast_in_dim3A_39, %concatenate3A_397, %broadcast_in_dim3A_41 in 0 : vector<16x128xf32>, vector<32x128xf32>, vector<16x128xf32>, vector<16x128xf32>, vector<32x128xf32>, vector<16x128xf32> -> vector<128x128xf32>
    %get3A_399 = arith.constant 8 : index
    %get3A_400 = arith.constant 0 : index
    %get3A_401 = arith.constant 0 : index
    %get3A_402 = vector.load %arg2[%get3A_399, %get3A_400, %get3A_401] : memref<16x20x16xf32, #tpu.memory_space<vmem>>, vector<1x20x16xf32>
    %get3A_403 = vector.shape_cast %get3A_402 : vector<1x20x16xf32> to vector<20x16xf32>
    %get3A_404 = arith.constant 8 : index
    %get3A_405 = arith.constant 0 : index
    %get3A_406 = arith.constant 0 : index
    %get3A_407 = vector.load %arg2[%get3A_404, %get3A_405, %get3A_406] : memref<16x20x16xf32, #tpu.memory_space<vmem>>, vector<1x20x16xf32>
    %get3A_408 = vector.shape_cast %get3A_407 : vector<1x20x16xf32> to vector<20x16xf32>
    %concatenate3A_409 = tpu.concatenate %get3A_403, %broadcast_in_dim3A_37, %get3A_408, %broadcast_in_dim3A_37 in 1 : vector<20x16xf32>, vector<20x48xf32>, vector<20x16xf32>, vector<20x48xf32> -> vector<20x128xf32>
    %dot_general3A_410 = arith.constant dense<0.000000e+00> : vector<500x128xf32>
    %dot_general3A_411 = tpu.matmul %convert_element_type3A_24, %concatenate3A_409, %dot_general3A_410 {dimension_numbers = #tpu.dot_dimension_numbers<[1], [0], [0], [1], [0, 0, 1, 1], [], []>, transpose_lhs_hint = false} : vector<500x20xf32>, vector<20x128xf32>, vector<500x128xf32> -> vector<500x128xf32>
    %dot_general3A_412 = arith.constant dense<0.000000e+00> : vector<500x128xf32>
    %dot_general3A_413 = tpu.matmul %get3A_386, %concatenate3A_398, %dot_general3A_412 {dimension_numbers = #tpu.dot_dimension_numbers<[1], [0], [0], [1], [0, 0, 1, 1], [], []>, transpose_lhs_hint = false} : vector<500x128xf32>, vector<128x128xf32>, vector<500x128xf32> -> vector<500x128xf32>
    %mul3A_414 = arith.mulf %get3A_386, %dot_general3A_411 : vector<500x128xf32>
    %mul3A_415 = arith.mulf %mul3A_414, %dot_general3A_413 : vector<500x128xf32>
    %dot_general3A_416 = arith.constant dense<0.000000e+00> : vector<500x2xf32>
    %dot_general3A_417 = tpu.matmul %mul3A_415, %convert_element_type3A_36, %dot_general3A_416 {dimension_numbers = #tpu.dot_dimension_numbers<[1], [0], [0], [1], [0, 0, 1, 1], [], []>, transpose_lhs_hint = false} : vector<500x128xf32>, vector<128x2xf32>, vector<500x2xf32> -> vector<500x2xf32>
    %dot_general3A_418 = arith.constant dense<0.000000e+00> : vector<500x2xf32>
    %dot_general3A_419 = tpu.matmul %mul3A_414, %convert_element_type3A_36, %dot_general3A_418 {dimension_numbers = #tpu.dot_dimension_numbers<[1], [0], [0], [1], [0, 0, 1, 1], [], []>, transpose_lhs_hint = false} : vector<500x128xf32>, vector<128x2xf32>, vector<500x2xf32> -> vector<500x2xf32>
    %div3A_420 = arith.divf %dot_general3A_417, %dot_general3A_419 : vector<500x2xf32>
    %swap3A_421 = arith.constant 8 : index
    %swap3A_422 = arith.constant 0 : index
    %swap3A_423 = arith.constant 0 : index
    %swap3A_424 = vector.load %arg4[%swap3A_421, %swap3A_422, %swap3A_423] : memref<16x500x2xf32, #tpu.memory_space<vmem>>, vector<1x500x2xf32>
    %swap3A_425 = vector.shape_cast %swap3A_424 : vector<1x500x2xf32> to vector<500x2xf32>
    %swap3A_426 = vector.shape_cast %div3A_420 : vector<500x2xf32> to vector<1x500x2xf32>
    tpu.vector_store %arg4[%swap3A_421, %swap3A_422, %swap3A_423], %swap3A_426 {strides = array<i32>} : memref<16x500x2xf32, #tpu.memory_space<vmem>>, vector<1x500x2xf32>,
    %get3A_427 = arith.constant 4500 : index
    %get3A_428 = arith.constant 0 : index
    %get3A_429 = vector.load %arg1[%get3A_427, %get3A_428] : memref<8000x128xf32, #tpu.memory_space<vmem>>, vector<500x128xf32>
    %get3A_430 = arith.constant 9 : index
    %get3A_431 = arith.constant 0 : index
    %get3A_432 = arith.constant 0 : index
    %get3A_433 = vector.load %arg3[%get3A_430, %get3A_431, %get3A_432] : memref<16x32x16xf32, #tpu.memory_space<vmem>>, vector<1x32x16xf32>
    %get3A_434 = vector.shape_cast %get3A_433 : vector<1x32x16xf32> to vector<32x16xf32>
    %broadcast_in_dim3A_435 = arith.constant 0.000000e+00 : f32
    %broadcast_in_dim3A_436 = vector.broadcast %broadcast_in_dim3A_435 : f32 to vector<32x64xf32>
    %concatenate3A_437 = tpu.concatenate %get3A_434, %broadcast_in_dim3A_43, %broadcast_in_dim3A_436 in 1 : vector<32x16xf32>, vector<32x48xf32>, vector<32x64xf32> -> vector<32x128xf32>
    %broadcast_in_dim3A_438 = arith.constant 0.000000e+00 : f32
    %broadcast_in_dim3A_439 = vector.broadcast %broadcast_in_dim3A_438 : f32 to vector<32x64xf32>
    %concatenate3A_440 = tpu.concatenate %broadcast_in_dim3A_439, %get3A_434, %broadcast_in_dim3A_43 in 1 : vector<32x64xf32>, vector<32x16xf32>, vector<32x48xf32> -> vector<32x128xf32>
    %concatenate3A_441 = tpu.concatenate %broadcast_in_dim3A_39, %concatenate3A_437, %broadcast_in_dim3A_41, %broadcast_in_dim3A_39, %concatenate3A_440, %broadcast_in_dim3A_41 in 0 : vector<16x128xf32>, vector<32x128xf32>, vector<16x128xf32>, vector<16x128xf32>, vector<32x128xf32>, vector<16x128xf32> -> vector<128x128xf32>
    %get3A_442 = arith.constant 9 : index
    %get3A_443 = arith.constant 0 : index
    %get3A_444 = arith.constant 0 : index
    %get3A_445 = vector.load %arg2[%get3A_442, %get3A_443, %get3A_444] : memref<16x20x16xf32, #tpu.memory_space<vmem>>, vector<1x20x16xf32>
    %get3A_446 = vector.shape_cast %get3A_445 : vector<1x20x16xf32> to vector<20x16xf32>
    %get3A_447 = arith.constant 9 : index
    %get3A_448 = arith.constant 0 : index
    %get3A_449 = arith.constant 0 : index
    %get3A_450 = vector.load %arg2[%get3A_447, %get3A_448, %get3A_449] : memref<16x20x16xf32, #tpu.memory_space<vmem>>, vector<1x20x16xf32>
    %get3A_451 = vector.shape_cast %get3A_450 : vector<1x20x16xf32> to vector<20x16xf32>
    %concatenate3A_452 = tpu.concatenate %get3A_446, %broadcast_in_dim3A_37, %get3A_451, %broadcast_in_dim3A_37 in 1 : vector<20x16xf32>, vector<20x48xf32>, vector<20x16xf32>, vector<20x48xf32> -> vector<20x128xf32>
    %dot_general3A_453 = arith.constant dense<0.000000e+00> : vector<500x128xf32>
    %dot_general3A_454 = tpu.matmul %convert_element_type3A_24, %concatenate3A_452, %dot_general3A_453 {dimension_numbers = #tpu.dot_dimension_numbers<[1], [0], [0], [1], [0, 0, 1, 1], [], []>, transpose_lhs_hint = false} : vector<500x20xf32>, vector<20x128xf32>, vector<500x128xf32> -> vector<500x128xf32>
    %dot_general3A_455 = arith.constant dense<0.000000e+00> : vector<500x128xf32>
    %dot_general3A_456 = tpu.matmul %get3A_429, %concatenate3A_441, %dot_general3A_455 {dimension_numbers = #tpu.dot_dimension_numbers<[1], [0], [0], [1], [0, 0, 1, 1], [], []>, transpose_lhs_hint = false} : vector<500x128xf32>, vector<128x128xf32>, vector<500x128xf32> -> vector<500x128xf32>
    %mul3A_457 = arith.mulf %get3A_429, %dot_general3A_454 : vector<500x128xf32>
    %mul3A_458 = arith.mulf %mul3A_457, %dot_general3A_456 : vector<500x128xf32>
    %dot_general3A_459 = arith.constant dense<0.000000e+00> : vector<500x2xf32>
    %dot_general3A_460 = tpu.matmul %mul3A_458, %convert_element_type3A_36, %dot_general3A_459 {dimension_numbers = #tpu.dot_dimension_numbers<[1], [0], [0], [1], [0, 0, 1, 1], [], []>, transpose_lhs_hint = false} : vector<500x128xf32>, vector<128x2xf32>, vector<500x2xf32> -> vector<500x2xf32>
    %dot_general3A_461 = arith.constant dense<0.000000e+00> : vector<500x2xf32>
    %dot_general3A_462 = tpu.matmul %mul3A_457, %convert_element_type3A_36, %dot_general3A_461 {dimension_numbers = #tpu.dot_dimension_numbers<[1], [0], [0], [1], [0, 0, 1, 1], [], []>, transpose_lhs_hint = false} : vector<500x128xf32>, vector<128x2xf32>, vector<500x2xf32> -> vector<500x2xf32>
    %div3A_463 = arith.divf %dot_general3A_460, %dot_general3A_462 : vector<500x2xf32>
    %swap3A_464 = arith.constant 9 : index
    %swap3A_465 = arith.constant 0 : index
    %swap3A_466 = arith.constant 0 : index
    %swap3A_467 = vector.load %arg4[%swap3A_464, %swap3A_465, %swap3A_466] : memref<16x500x2xf32, #tpu.memory_space<vmem>>, vector<1x500x2xf32>
    %swap3A_468 = vector.shape_cast %swap3A_467 : vector<1x500x2xf32> to vector<500x2xf32>
    %swap3A_469 = vector.shape_cast %div3A_463 : vector<500x2xf32> to vector<1x500x2xf32>
    tpu.vector_store %arg4[%swap3A_464, %swap3A_465, %swap3A_466], %swap3A_469 {strides = array<i32>} : memref<16x500x2xf32, #tpu.memory_space<vmem>>, vector<1x500x2xf32>,
    %get3A_470 = arith.constant 5000 : index
    %get3A_471 = arith.constant 0 : index
    %get3A_472 = vector.load %arg1[%get3A_470, %get3A_471] : memref<8000x128xf32, #tpu.memory_space<vmem>>, vector<500x128xf32>
    %get3A_473 = arith.constant 10 : index
    %get3A_474 = arith.constant 0 : index
    %get3A_475 = arith.constant 0 : index
    %get3A_476 = vector.load %arg3[%get3A_473, %get3A_474, %get3A_475] : memref<16x32x16xf32, #tpu.memory_space<vmem>>, vector<1x32x16xf32>
    %get3A_477 = vector.shape_cast %get3A_476 : vector<1x32x16xf32> to vector<32x16xf32>
    %broadcast_in_dim3A_478 = arith.constant 0.000000e+00 : f32
    %broadcast_in_dim3A_479 = vector.broadcast %broadcast_in_dim3A_478 : f32 to vector<32x64xf32>
    %concatenate3A_480 = tpu.concatenate %get3A_477, %broadcast_in_dim3A_43, %broadcast_in_dim3A_479 in 1 : vector<32x16xf32>, vector<32x48xf32>, vector<32x64xf32> -> vector<32x128xf32>
    %broadcast_in_dim3A_481 = arith.constant 0.000000e+00 : f32
    %broadcast_in_dim3A_482 = vector.broadcast %broadcast_in_dim3A_481 : f32 to vector<32x64xf32>
    %concatenate3A_483 = tpu.concatenate %broadcast_in_dim3A_482, %get3A_477, %broadcast_in_dim3A_43 in 1 : vector<32x64xf32>, vector<32x16xf32>, vector<32x48xf32> -> vector<32x128xf32>
    %concatenate3A_484 = tpu.concatenate %broadcast_in_dim3A_39, %concatenate3A_480, %broadcast_in_dim3A_41, %broadcast_in_dim3A_39, %concatenate3A_483, %broadcast_in_dim3A_41 in 0 : vector<16x128xf32>, vector<32x128xf32>, vector<16x128xf32>, vector<16x128xf32>, vector<32x128xf32>, vector<16x128xf32> -> vector<128x128xf32>
    %get3A_485 = arith.constant 10 : index
    %get3A_486 = arith.constant 0 : index
    %get3A_487 = arith.constant 0 : index
    %get3A_488 = vector.load %arg2[%get3A_485, %get3A_486, %get3A_487] : memref<16x20x16xf32, #tpu.memory_space<vmem>>, vector<1x20x16xf32>
    %get3A_489 = vector.shape_cast %get3A_488 : vector<1x20x16xf32> to vector<20x16xf32>
    %get3A_490 = arith.constant 10 : index
    %get3A_491 = arith.constant 0 : index
    %get3A_492 = arith.constant 0 : index
    %get3A_493 = vector.load %arg2[%get3A_490, %get3A_491, %get3A_492] : memref<16x20x16xf32, #tpu.memory_space<vmem>>, vector<1x20x16xf32>
    %get3A_494 = vector.shape_cast %get3A_493 : vector<1x20x16xf32> to vector<20x16xf32>
    %concatenate3A_495 = tpu.concatenate %get3A_489, %broadcast_in_dim3A_37, %get3A_494, %broadcast_in_dim3A_37 in 1 : vector<20x16xf32>, vector<20x48xf32>, vector<20x16xf32>, vector<20x48xf32> -> vector<20x128xf32>
    %dot_general3A_496 = arith.constant dense<0.000000e+00> : vector<500x128xf32>
    %dot_general3A_497 = tpu.matmul %convert_element_type3A_24, %concatenate3A_495, %dot_general3A_496 {dimension_numbers = #tpu.dot_dimension_numbers<[1], [0], [0], [1], [0, 0, 1, 1], [], []>, transpose_lhs_hint = false} : vector<500x20xf32>, vector<20x128xf32>, vector<500x128xf32> -> vector<500x128xf32>
    %dot_general3A_498 = arith.constant dense<0.000000e+00> : vector<500x128xf32>
    %dot_general3A_499 = tpu.matmul %get3A_472, %concatenate3A_484, %dot_general3A_498 {dimension_numbers = #tpu.dot_dimension_numbers<[1], [0], [0], [1], [0, 0, 1, 1], [], []>, transpose_lhs_hint = false} : vector<500x128xf32>, vector<128x128xf32>, vector<500x128xf32> -> vector<500x128xf32>
    %mul3A_500 = arith.mulf %get3A_472, %dot_general3A_497 : vector<500x128xf32>
    %mul3A_501 = arith.mulf %mul3A_500, %dot_general3A_499 : vector<500x128xf32>
    %dot_general3A_502 = arith.constant dense<0.000000e+00> : vector<500x2xf32>
    %dot_general3A_503 = tpu.matmul %mul3A_501, %convert_element_type3A_36, %dot_general3A_502 {dimension_numbers = #tpu.dot_dimension_numbers<[1], [0], [0], [1], [0, 0, 1, 1], [], []>, transpose_lhs_hint = false} : vector<500x128xf32>, vector<128x2xf32>, vector<500x2xf32> -> vector<500x2xf32>
    %dot_general3A_504 = arith.constant dense<0.000000e+00> : vector<500x2xf32>
    %dot_general3A_505 = tpu.matmul %mul3A_500, %convert_element_type3A_36, %dot_general3A_504 {dimension_numbers = #tpu.dot_dimension_numbers<[1], [0], [0], [1], [0, 0, 1, 1], [], []>, transpose_lhs_hint = false} : vector<500x128xf32>, vector<128x2xf32>, vector<500x2xf32> -> vector<500x2xf32>
    %div3A_506 = arith.divf %dot_general3A_503, %dot_general3A_505 : vector<500x2xf32>
    %swap3A_507 = arith.constant 10 : index
    %swap3A_508 = arith.constant 0 : index
    %swap3A_509 = arith.constant 0 : index
    %swap3A_510 = vector.load %arg4[%swap3A_507, %swap3A_508, %swap3A_509] : memref<16x500x2xf32, #tpu.memory_space<vmem>>, vector<1x500x2xf32>
    %swap3A_511 = vector.shape_cast %swap3A_510 : vector<1x500x2xf32> to vector<500x2xf32>
    %swap3A_512 = vector.shape_cast %div3A_506 : vector<500x2xf32> to vector<1x500x2xf32>
    tpu.vector_store %arg4[%swap3A_507, %swap3A_508, %swap3A_509], %swap3A_512 {strides = array<i32>} : memref<16x500x2xf32, #tpu.memory_space<vmem>>, vector<1x500x2xf32>,
    %get3A_513 = arith.constant 5500 : index
    %get3A_514 = arith.constant 0 : index
    %get3A_515 = vector.load %arg1[%get3A_513, %get3A_514] : memref<8000x128xf32, #tpu.memory_space<vmem>>, vector<500x128xf32>
    %get3A_516 = arith.constant 11 : index
    %get3A_517 = arith.constant 0 : index
    %get3A_518 = arith.constant 0 : index
    %get3A_519 = vector.load %arg3[%get3A_516, %get3A_517, %get3A_518] : memref<16x32x16xf32, #tpu.memory_space<vmem>>, vector<1x32x16xf32>
    %get3A_520 = vector.shape_cast %get3A_519 : vector<1x32x16xf32> to vector<32x16xf32>
    %broadcast_in_dim3A_521 = arith.constant 0.000000e+00 : f32
    %broadcast_in_dim3A_522 = vector.broadcast %broadcast_in_dim3A_521 : f32 to vector<32x64xf32>
    %concatenate3A_523 = tpu.concatenate %get3A_520, %broadcast_in_dim3A_43, %broadcast_in_dim3A_522 in 1 : vector<32x16xf32>, vector<32x48xf32>, vector<32x64xf32> -> vector<32x128xf32>
    %broadcast_in_dim3A_524 = arith.constant 0.000000e+00 : f32
    %broadcast_in_dim3A_525 = vector.broadcast %broadcast_in_dim3A_524 : f32 to vector<32x64xf32>
    %concatenate3A_526 = tpu.concatenate %broadcast_in_dim3A_525, %get3A_520, %broadcast_in_dim3A_43 in 1 : vector<32x64xf32>, vector<32x16xf32>, vector<32x48xf32> -> vector<32x128xf32>
    %concatenate3A_527 = tpu.concatenate %broadcast_in_dim3A_39, %concatenate3A_523, %broadcast_in_dim3A_41, %broadcast_in_dim3A_39, %concatenate3A_526, %broadcast_in_dim3A_41 in 0 : vector<16x128xf32>, vector<32x128xf32>, vector<16x128xf32>, vector<16x128xf32>, vector<32x128xf32>, vector<16x128xf32> -> vector<128x128xf32>
    %get3A_528 = arith.constant 11 : index
    %get3A_529 = arith.constant 0 : index
    %get3A_530 = arith.constant 0 : index
    %get3A_531 = vector.load %arg2[%get3A_528, %get3A_529, %get3A_530] : memref<16x20x16xf32, #tpu.memory_space<vmem>>, vector<1x20x16xf32>
    %get3A_532 = vector.shape_cast %get3A_531 : vector<1x20x16xf32> to vector<20x16xf32>
    %get3A_533 = arith.constant 11 : index
    %get3A_534 = arith.constant 0 : index
    %get3A_535 = arith.constant 0 : index
    %get3A_536 = vector.load %arg2[%get3A_533, %get3A_534, %get3A_535] : memref<16x20x16xf32, #tpu.memory_space<vmem>>, vector<1x20x16xf32>
    %get3A_537 = vector.shape_cast %get3A_536 : vector<1x20x16xf32> to vector<20x16xf32>
    %concatenate3A_538 = tpu.concatenate %get3A_532, %broadcast_in_dim3A_37, %get3A_537, %broadcast_in_dim3A_37 in 1 : vector<20x16xf32>, vector<20x48xf32>, vector<20x16xf32>, vector<20x48xf32> -> vector<20x128xf32>
    %dot_general3A_539 = arith.constant dense<0.000000e+00> : vector<500x128xf32>
    %dot_general3A_540 = tpu.matmul %convert_element_type3A_24, %concatenate3A_538, %dot_general3A_539 {dimension_numbers = #tpu.dot_dimension_numbers<[1], [0], [0], [1], [0, 0, 1, 1], [], []>, transpose_lhs_hint = false} : vector<500x20xf32>, vector<20x128xf32>, vector<500x128xf32> -> vector<500x128xf32>
    %dot_general3A_541 = arith.constant dense<0.000000e+00> : vector<500x128xf32>
    %dot_general3A_542 = tpu.matmul %get3A_515, %concatenate3A_527, %dot_general3A_541 {dimension_numbers = #tpu.dot_dimension_numbers<[1], [0], [0], [1], [0, 0, 1, 1], [], []>, transpose_lhs_hint = false} : vector<500x128xf32>, vector<128x128xf32>, vector<500x128xf32> -> vector<500x128xf32>
    %mul3A_543 = arith.mulf %get3A_515, %dot_general3A_540 : vector<500x128xf32>
    %mul3A_544 = arith.mulf %mul3A_543, %dot_general3A_542 : vector<500x128xf32>
    %dot_general3A_545 = arith.constant dense<0.000000e+00> : vector<500x2xf32>
    %dot_general3A_546 = tpu.matmul %mul3A_544, %convert_element_type3A_36, %dot_general3A_545 {dimension_numbers = #tpu.dot_dimension_numbers<[1], [0], [0], [1], [0, 0, 1, 1], [], []>, transpose_lhs_hint = false} : vector<500x128xf32>, vector<128x2xf32>, vector<500x2xf32> -> vector<500x2xf32>
    %dot_general3A_547 = arith.constant dense<0.000000e+00> : vector<500x2xf32>
    %dot_general3A_548 = tpu.matmul %mul3A_543, %convert_element_type3A_36, %dot_general3A_547 {dimension_numbers = #tpu.dot_dimension_numbers<[1], [0], [0], [1], [0, 0, 1, 1], [], []>, transpose_lhs_hint = false} : vector<500x128xf32>, vector<128x2xf32>, vector<500x2xf32> -> vector<500x2xf32>
    %div3A_549 = arith.divf %dot_general3A_546, %dot_general3A_548 : vector<500x2xf32>
    %swap3A_550 = arith.constant 11 : index
    %swap3A_551 = arith.constant 0 : index
    %swap3A_552 = arith.constant 0 : index
    %swap3A_553 = vector.load %arg4[%swap3A_550, %swap3A_551, %swap3A_552] : memref<16x500x2xf32, #tpu.memory_space<vmem>>, vector<1x500x2xf32>
    %swap3A_554 = vector.shape_cast %swap3A_553 : vector<1x500x2xf32> to vector<500x2xf32>
    %swap3A_555 = vector.shape_cast %div3A_549 : vector<500x2xf32> to vector<1x500x2xf32>
    tpu.vector_store %arg4[%swap3A_550, %swap3A_551, %swap3A_552], %swap3A_555 {strides = array<i32>} : memref<16x500x2xf32, #tpu.memory_space<vmem>>, vector<1x500x2xf32>,
    %get3A_556 = arith.constant 6000 : index
    %get3A_557 = arith.constant 0 : index
    %get3A_558 = vector.load %arg1[%get3A_556, %get3A_557] : memref<8000x128xf32, #tpu.memory_space<vmem>>, vector<500x128xf32>
    %get3A_559 = arith.constant 12 : index
    %get3A_560 = arith.constant 0 : index
    %get3A_561 = arith.constant 0 : index
    %get3A_562 = vector.load %arg3[%get3A_559, %get3A_560, %get3A_561] : memref<16x32x16xf32, #tpu.memory_space<vmem>>, vector<1x32x16xf32>
    %get3A_563 = vector.shape_cast %get3A_562 : vector<1x32x16xf32> to vector<32x16xf32>
    %broadcast_in_dim3A_564 = arith.constant 0.000000e+00 : f32
    %broadcast_in_dim3A_565 = vector.broadcast %broadcast_in_dim3A_564 : f32 to vector<32x64xf32>
    %concatenate3A_566 = tpu.concatenate %get3A_563, %broadcast_in_dim3A_43, %broadcast_in_dim3A_565 in 1 : vector<32x16xf32>, vector<32x48xf32>, vector<32x64xf32> -> vector<32x128xf32>
    %broadcast_in_dim3A_567 = arith.constant 0.000000e+00 : f32
    %broadcast_in_dim3A_568 = vector.broadcast %broadcast_in_dim3A_567 : f32 to vector<32x64xf32>
    %concatenate3A_569 = tpu.concatenate %broadcast_in_dim3A_568, %get3A_563, %broadcast_in_dim3A_43 in 1 : vector<32x64xf32>, vector<32x16xf32>, vector<32x48xf32> -> vector<32x128xf32>
    %concatenate3A_570 = tpu.concatenate %broadcast_in_dim3A_39, %concatenate3A_566, %broadcast_in_dim3A_41, %broadcast_in_dim3A_39, %concatenate3A_569, %broadcast_in_dim3A_41 in 0 : vector<16x128xf32>, vector<32x128xf32>, vector<16x128xf32>, vector<16x128xf32>, vector<32x128xf32>, vector<16x128xf32> -> vector<128x128xf32>
    %get3A_571 = arith.constant 12 : index
    %get3A_572 = arith.constant 0 : index
    %get3A_573 = arith.constant 0 : index
    %get3A_574 = vector.load %arg2[%get3A_571, %get3A_572, %get3A_573] : memref<16x20x16xf32, #tpu.memory_space<vmem>>, vector<1x20x16xf32>
    %get3A_575 = vector.shape_cast %get3A_574 : vector<1x20x16xf32> to vector<20x16xf32>
    %get3A_576 = arith.constant 12 : index
    %get3A_577 = arith.constant 0 : index
    %get3A_578 = arith.constant 0 : index
    %get3A_579 = vector.load %arg2[%get3A_576, %get3A_577, %get3A_578] : memref<16x20x16xf32, #tpu.memory_space<vmem>>, vector<1x20x16xf32>
    %get3A_580 = vector.shape_cast %get3A_579 : vector<1x20x16xf32> to vector<20x16xf32>
    %concatenate3A_581 = tpu.concatenate %get3A_575, %broadcast_in_dim3A_37, %get3A_580, %broadcast_in_dim3A_37 in 1 : vector<20x16xf32>, vector<20x48xf32>, vector<20x16xf32>, vector<20x48xf32> -> vector<20x128xf32>
    %dot_general3A_582 = arith.constant dense<0.000000e+00> : vector<500x128xf32>
    %dot_general3A_583 = tpu.matmul %convert_element_type3A_24, %concatenate3A_581, %dot_general3A_582 {dimension_numbers = #tpu.dot_dimension_numbers<[1], [0], [0], [1], [0, 0, 1, 1], [], []>, transpose_lhs_hint = false} : vector<500x20xf32>, vector<20x128xf32>, vector<500x128xf32> -> vector<500x128xf32>
    %dot_general3A_584 = arith.constant dense<0.000000e+00> : vector<500x128xf32>
    %dot_general3A_585 = tpu.matmul %get3A_558, %concatenate3A_570, %dot_general3A_584 {dimension_numbers = #tpu.dot_dimension_numbers<[1], [0], [0], [1], [0, 0, 1, 1], [], []>, transpose_lhs_hint = false} : vector<500x128xf32>, vector<128x128xf32>, vector<500x128xf32> -> vector<500x128xf32>
    %mul3A_586 = arith.mulf %get3A_558, %dot_general3A_583 : vector<500x128xf32>
    %mul3A_587 = arith.mulf %mul3A_586, %dot_general3A_585 : vector<500x128xf32>
    %dot_general3A_588 = arith.constant dense<0.000000e+00> : vector<500x2xf32>
    %dot_general3A_589 = tpu.matmul %mul3A_587, %convert_element_type3A_36, %dot_general3A_588 {dimension_numbers = #tpu.dot_dimension_numbers<[1], [0], [0], [1], [0, 0, 1, 1], [], []>, transpose_lhs_hint = false} : vector<500x128xf32>, vector<128x2xf32>, vector<500x2xf32> -> vector<500x2xf32>
    %dot_general3A_590 = arith.constant dense<0.000000e+00> : vector<500x2xf32>
    %dot_general3A_591 = tpu.matmul %mul3A_586, %convert_element_type3A_36, %dot_general3A_590 {dimension_numbers = #tpu.dot_dimension_numbers<[1], [0], [0], [1], [0, 0, 1, 1], [], []>, transpose_lhs_hint = false} : vector<500x128xf32>, vector<128x2xf32>, vector<500x2xf32> -> vector<500x2xf32>
    %div3A_592 = arith.divf %dot_general3A_589, %dot_general3A_591 : vector<500x2xf32>
    %swap3A_593 = arith.constant 12 : index
    %swap3A_594 = arith.constant 0 : index
    %swap3A_595 = arith.constant 0 : index
    %swap3A_596 = vector.load %arg4[%swap3A_593, %swap3A_594, %swap3A_595] : memref<16x500x2xf32, #tpu.memory_space<vmem>>, vector<1x500x2xf32>
    %swap3A_597 = vector.shape_cast %swap3A_596 : vector<1x500x2xf32> to vector<500x2xf32>
    %swap3A_598 = vector.shape_cast %div3A_592 : vector<500x2xf32> to vector<1x500x2xf32>
    tpu.vector_store %arg4[%swap3A_593, %swap3A_594, %swap3A_595], %swap3A_598 {strides = array<i32>} : memref<16x500x2xf32, #tpu.memory_space<vmem>>, vector<1x500x2xf32>,
    %get3A_599 = arith.constant 6500 : index
    %get3A_600 = arith.constant 0 : index
    %get3A_601 = vector.load %arg1[%get3A_599, %get3A_600] : memref<8000x128xf32, #tpu.memory_space<vmem>>, vector<500x128xf32>
    %get3A_602 = arith.constant 13 : index
    %get3A_603 = arith.constant 0 : index
    %get3A_604 = arith.constant 0 : index
    %get3A_605 = vector.load %arg3[%get3A_602, %get3A_603, %get3A_604] : memref<16x32x16xf32, #tpu.memory_space<vmem>>, vector<1x32x16xf32>
    %get3A_606 = vector.shape_cast %get3A_605 : vector<1x32x16xf32> to vector<32x16xf32>
    %broadcast_in_dim3A_607 = arith.constant 0.000000e+00 : f32
    %broadcast_in_dim3A_608 = vector.broadcast %broadcast_in_dim3A_607 : f32 to vector<32x64xf32>
    %concatenate3A_609 = tpu.concatenate %get3A_606, %broadcast_in_dim3A_43, %broadcast_in_dim3A_608 in 1 : vector<32x16xf32>, vector<32x48xf32>, vector<32x64xf32> -> vector<32x128xf32>
    %broadcast_in_dim3A_610 = arith.constant 0.000000e+00 : f32
    %broadcast_in_dim3A_611 = vector.broadcast %broadcast_in_dim3A_610 : f32 to vector<32x64xf32>
    %concatenate3A_612 = tpu.concatenate %broadcast_in_dim3A_611, %get3A_606, %broadcast_in_dim3A_43 in 1 : vector<32x64xf32>, vector<32x16xf32>, vector<32x48xf32> -> vector<32x128xf32>
    %concatenate3A_613 = tpu.concatenate %broadcast_in_dim3A_39, %concatenate3A_609, %broadcast_in_dim3A_41, %broadcast_in_dim3A_39, %concatenate3A_612, %broadcast_in_dim3A_41 in 0 : vector<16x128xf32>, vector<32x128xf32>, vector<16x128xf32>, vector<16x128xf32>, vector<32x128xf32>, vector<16x128xf32> -> vector<128x128xf32>
    %get3A_614 = arith.constant 13 : index
    %get3A_615 = arith.constant 0 : index
    %get3A_616 = arith.constant 0 : index
    %get3A_617 = vector.load %arg2[%get3A_614, %get3A_615, %get3A_616] : memref<16x20x16xf32, #tpu.memory_space<vmem>>, vector<1x20x16xf32>
    %get3A_618 = vector.shape_cast %get3A_617 : vector<1x20x16xf32> to vector<20x16xf32>
    %get3A_619 = arith.constant 13 : index
    %get3A_620 = arith.constant 0 : index
    %get3A_621 = arith.constant 0 : index
    %get3A_622 = vector.load %arg2[%get3A_619, %get3A_620, %get3A_621] : memref<16x20x16xf32, #tpu.memory_space<vmem>>, vector<1x20x16xf32>
    %get3A_623 = vector.shape_cast %get3A_622 : vector<1x20x16xf32> to vector<20x16xf32>
    %concatenate3A_624 = tpu.concatenate %get3A_618, %broadcast_in_dim3A_37, %get3A_623, %broadcast_in_dim3A_37 in 1 : vector<20x16xf32>, vector<20x48xf32>, vector<20x16xf32>, vector<20x48xf32> -> vector<20x128xf32>
    %dot_general3A_625 = arith.constant dense<0.000000e+00> : vector<500x128xf32>
    %dot_general3A_626 = tpu.matmul %convert_element_type3A_24, %concatenate3A_624, %dot_general3A_625 {dimension_numbers = #tpu.dot_dimension_numbers<[1], [0], [0], [1], [0, 0, 1, 1], [], []>, transpose_lhs_hint = false} : vector<500x20xf32>, vector<20x128xf32>, vector<500x128xf32> -> vector<500x128xf32>
    %dot_general3A_627 = arith.constant dense<0.000000e+00> : vector<500x128xf32>
    %dot_general3A_628 = tpu.matmul %get3A_601, %concatenate3A_613, %dot_general3A_627 {dimension_numbers = #tpu.dot_dimension_numbers<[1], [0], [0], [1], [0, 0, 1, 1], [], []>, transpose_lhs_hint = false} : vector<500x128xf32>, vector<128x128xf32>, vector<500x128xf32> -> vector<500x128xf32>
    %mul3A_629 = arith.mulf %get3A_601, %dot_general3A_626 : vector<500x128xf32>
    %mul3A_630 = arith.mulf %mul3A_629, %dot_general3A_628 : vector<500x128xf32>
    %dot_general3A_631 = arith.constant dense<0.000000e+00> : vector<500x2xf32>
    %dot_general3A_632 = tpu.matmul %mul3A_630, %convert_element_type3A_36, %dot_general3A_631 {dimension_numbers = #tpu.dot_dimension_numbers<[1], [0], [0], [1], [0, 0, 1, 1], [], []>, transpose_lhs_hint = false} : vector<500x128xf32>, vector<128x2xf32>, vector<500x2xf32> -> vector<500x2xf32>
    %dot_general3A_633 = arith.constant dense<0.000000e+00> : vector<500x2xf32>
    %dot_general3A_634 = tpu.matmul %mul3A_629, %convert_element_type3A_36, %dot_general3A_633 {dimension_numbers = #tpu.dot_dimension_numbers<[1], [0], [0], [1], [0, 0, 1, 1], [], []>, transpose_lhs_hint = false} : vector<500x128xf32>, vector<128x2xf32>, vector<500x2xf32> -> vector<500x2xf32>
    %div3A_635 = arith.divf %dot_general3A_632, %dot_general3A_634 : vector<500x2xf32>
    %swap3A_636 = arith.constant 13 : index
    %swap3A_637 = arith.constant 0 : index
    %swap3A_638 = arith.constant 0 : index
    %swap3A_639 = vector.load %arg4[%swap3A_636, %swap3A_637, %swap3A_638] : memref<16x500x2xf32, #tpu.memory_space<vmem>>, vector<1x500x2xf32>
    %swap3A_640 = vector.shape_cast %swap3A_639 : vector<1x500x2xf32> to vector<500x2xf32>
    %swap3A_641 = vector.shape_cast %div3A_635 : vector<500x2xf32> to vector<1x500x2xf32>
    tpu.vector_store %arg4[%swap3A_636, %swap3A_637, %swap3A_638], %swap3A_641 {strides = array<i32>} : memref<16x500x2xf32, #tpu.memory_space<vmem>>, vector<1x500x2xf32>,
    %get3A_642 = arith.constant 7000 : index
    %get3A_643 = arith.constant 0 : index
    %get3A_644 = vector.load %arg1[%get3A_642, %get3A_643] : memref<8000x128xf32, #tpu.memory_space<vmem>>, vector<500x128xf32>
    %get3A_645 = arith.constant 14 : index
    %get3A_646 = arith.constant 0 : index
    %get3A_647 = arith.constant 0 : index
    %get3A_648 = vector.load %arg3[%get3A_645, %get3A_646, %get3A_647] : memref<16x32x16xf32, #tpu.memory_space<vmem>>, vector<1x32x16xf32>
    %get3A_649 = vector.shape_cast %get3A_648 : vector<1x32x16xf32> to vector<32x16xf32>
    %broadcast_in_dim3A_650 = arith.constant 0.000000e+00 : f32
    %broadcast_in_dim3A_651 = vector.broadcast %broadcast_in_dim3A_650 : f32 to vector<32x64xf32>
    %concatenate3A_652 = tpu.concatenate %get3A_649, %broadcast_in_dim3A_43, %broadcast_in_dim3A_651 in 1 : vector<32x16xf32>, vector<32x48xf32>, vector<32x64xf32> -> vector<32x128xf32>
    %broadcast_in_dim3A_653 = arith.constant 0.000000e+00 : f32
    %broadcast_in_dim3A_654 = vector.broadcast %broadcast_in_dim3A_653 : f32 to vector<32x64xf32>
    %concatenate3A_655 = tpu.concatenate %broadcast_in_dim3A_654, %get3A_649, %broadcast_in_dim3A_43 in 1 : vector<32x64xf32>, vector<32x16xf32>, vector<32x48xf32> -> vector<32x128xf32>
    %concatenate3A_656 = tpu.concatenate %broadcast_in_dim3A_39, %concatenate3A_652, %broadcast_in_dim3A_41, %broadcast_in_dim3A_39, %concatenate3A_655, %broadcast_in_dim3A_41 in 0 : vector<16x128xf32>, vector<32x128xf32>, vector<16x128xf32>, vector<16x128xf32>, vector<32x128xf32>, vector<16x128xf32> -> vector<128x128xf32>
    %get3A_657 = arith.constant 14 : index
    %get3A_658 = arith.constant 0 : index
    %get3A_659 = arith.constant 0 : index
    %get3A_660 = vector.load %arg2[%get3A_657, %get3A_658, %get3A_659] : memref<16x20x16xf32, #tpu.memory_space<vmem>>, vector<1x20x16xf32>
    %get3A_661 = vector.shape_cast %get3A_660 : vector<1x20x16xf32> to vector<20x16xf32>
    %get3A_662 = arith.constant 14 : index
    %get3A_663 = arith.constant 0 : index
    %get3A_664 = arith.constant 0 : index
    %get3A_665 = vector.load %arg2[%get3A_662, %get3A_663, %get3A_664] : memref<16x20x16xf32, #tpu.memory_space<vmem>>, vector<1x20x16xf32>
    %get3A_666 = vector.shape_cast %get3A_665 : vector<1x20x16xf32> to vector<20x16xf32>
    %concatenate3A_667 = tpu.concatenate %get3A_661, %broadcast_in_dim3A_37, %get3A_666, %broadcast_in_dim3A_37 in 1 : vector<20x16xf32>, vector<20x48xf32>, vector<20x16xf32>, vector<20x48xf32> -> vector<20x128xf32>
    %dot_general3A_668 = arith.constant dense<0.000000e+00> : vector<500x128xf32>
    %dot_general3A_669 = tpu.matmul %convert_element_type3A_24, %concatenate3A_667, %dot_general3A_668 {dimension_numbers = #tpu.dot_dimension_numbers<[1], [0], [0], [1], [0, 0, 1, 1], [], []>, transpose_lhs_hint = false} : vector<500x20xf32>, vector<20x128xf32>, vector<500x128xf32> -> vector<500x128xf32>
    %dot_general3A_670 = arith.constant dense<0.000000e+00> : vector<500x128xf32>
    %dot_general3A_671 = tpu.matmul %get3A_644, %concatenate3A_656, %dot_general3A_670 {dimension_numbers = #tpu.dot_dimension_numbers<[1], [0], [0], [1], [0, 0, 1, 1], [], []>, transpose_lhs_hint = false} : vector<500x128xf32>, vector<128x128xf32>, vector<500x128xf32> -> vector<500x128xf32>
    %mul3A_672 = arith.mulf %get3A_644, %dot_general3A_669 : vector<500x128xf32>
    %mul3A_673 = arith.mulf %mul3A_672, %dot_general3A_671 : vector<500x128xf32>
    %dot_general3A_674 = arith.constant dense<0.000000e+00> : vector<500x2xf32>
    %dot_general3A_675 = tpu.matmul %mul3A_673, %convert_element_type3A_36, %dot_general3A_674 {dimension_numbers = #tpu.dot_dimension_numbers<[1], [0], [0], [1], [0, 0, 1, 1], [], []>, transpose_lhs_hint = false} : vector<500x128xf32>, vector<128x2xf32>, vector<500x2xf32> -> vector<500x2xf32>
    %dot_general3A_676 = arith.constant dense<0.000000e+00> : vector<500x2xf32>
    %dot_general3A_677 = tpu.matmul %mul3A_672, %convert_element_type3A_36, %dot_general3A_676 {dimension_numbers = #tpu.dot_dimension_numbers<[1], [0], [0], [1], [0, 0, 1, 1], [], []>, transpose_lhs_hint = false} : vector<500x128xf32>, vector<128x2xf32>, vector<500x2xf32> -> vector<500x2xf32>
    %div3A_678 = arith.divf %dot_general3A_675, %dot_general3A_677 : vector<500x2xf32>
    %swap3A_679 = arith.constant 14 : index
    %swap3A_680 = arith.constant 0 : index
    %swap3A_681 = arith.constant 0 : index
    %swap3A_682 = vector.load %arg4[%swap3A_679, %swap3A_680, %swap3A_681] : memref<16x500x2xf32, #tpu.memory_space<vmem>>, vector<1x500x2xf32>
    %swap3A_683 = vector.shape_cast %swap3A_682 : vector<1x500x2xf32> to vector<500x2xf32>
    %swap3A_684 = vector.shape_cast %div3A_678 : vector<500x2xf32> to vector<1x500x2xf32>
    tpu.vector_store %arg4[%swap3A_679, %swap3A_680, %swap3A_681], %swap3A_684 {strides = array<i32>} : memref<16x500x2xf32, #tpu.memory_space<vmem>>, vector<1x500x2xf32>,
    %get3A_685 = arith.constant 7500 : index
    %get3A_686 = arith.constant 0 : index
    %get3A_687 = vector.load %arg1[%get3A_685, %get3A_686] : memref<8000x128xf32, #tpu.memory_space<vmem>>, vector<500x128xf32>
    %get3A_688 = arith.constant 15 : index
    %get3A_689 = arith.constant 0 : index
    %get3A_690 = arith.constant 0 : index
    %get3A_691 = vector.load %arg3[%get3A_688, %get3A_689, %get3A_690] : memref<16x32x16xf32, #tpu.memory_space<vmem>>, vector<1x32x16xf32>
    %get3A_692 = vector.shape_cast %get3A_691 : vector<1x32x16xf32> to vector<32x16xf32>
    %broadcast_in_dim3A_693 = arith.constant 0.000000e+00 : f32
    %broadcast_in_dim3A_694 = vector.broadcast %broadcast_in_dim3A_693 : f32 to vector<32x64xf32>
    %concatenate3A_695 = tpu.concatenate %get3A_692, %broadcast_in_dim3A_43, %broadcast_in_dim3A_694 in 1 : vector<32x16xf32>, vector<32x48xf32>, vector<32x64xf32> -> vector<32x128xf32>
    %broadcast_in_dim3A_696 = arith.constant 0.000000e+00 : f32
    %broadcast_in_dim3A_697 = vector.broadcast %broadcast_in_dim3A_696 : f32 to vector<32x64xf32>
    %concatenate3A_698 = tpu.concatenate %broadcast_in_dim3A_697, %get3A_692, %broadcast_in_dim3A_43 in 1 : vector<32x64xf32>, vector<32x16xf32>, vector<32x48xf32> -> vector<32x128xf32>
    %concatenate3A_699 = tpu.concatenate %broadcast_in_dim3A_39, %concatenate3A_695, %broadcast_in_dim3A_41, %broadcast_in_dim3A_39, %concatenate3A_698, %broadcast_in_dim3A_41 in 0 : vector<16x128xf32>, vector<32x128xf32>, vector<16x128xf32>, vector<16x128xf32>, vector<32x128xf32>, vector<16x128xf32> -> vector<128x128xf32>
    %get3A_700 = arith.constant 15 : index
    %get3A_701 = arith.constant 0 : index
    %get3A_702 = arith.constant 0 : index
    %get3A_703 = vector.load %arg2[%get3A_700, %get3A_701, %get3A_702] : memref<16x20x16xf32, #tpu.memory_space<vmem>>, vector<1x20x16xf32>
    %get3A_704 = vector.shape_cast %get3A_703 : vector<1x20x16xf32> to vector<20x16xf32>
    %get3A_705 = arith.constant 15 : index
    %get3A_706 = arith.constant 0 : index
    %get3A_707 = arith.constant 0 : index
    %get3A_708 = vector.load %arg2[%get3A_705, %get3A_706, %get3A_707] : memref<16x20x16xf32, #tpu.memory_space<vmem>>, vector<1x20x16xf32>
    %get3A_709 = vector.shape_cast %get3A_708 : vector<1x20x16xf32> to vector<20x16xf32>
    %concatenate3A_710 = tpu.concatenate %get3A_704, %broadcast_in_dim3A_37, %get3A_709, %broadcast_in_dim3A_37 in 1 : vector<20x16xf32>, vector<20x48xf32>, vector<20x16xf32>, vector<20x48xf32> -> vector<20x128xf32>
    %dot_general3A_711 = arith.constant dense<0.000000e+00> : vector<500x128xf32>
    %dot_general3A_712 = tpu.matmul %convert_element_type3A_24, %concatenate3A_710, %dot_general3A_711 {dimension_numbers = #tpu.dot_dimension_numbers<[1], [0], [0], [1], [0, 0, 1, 1], [], []>, transpose_lhs_hint = false} : vector<500x20xf32>, vector<20x128xf32>, vector<500x128xf32> -> vector<500x128xf32>
    %dot_general3A_713 = arith.constant dense<0.000000e+00> : vector<500x128xf32>
    %dot_general3A_714 = tpu.matmul %get3A_687, %concatenate3A_699, %dot_general3A_713 {dimension_numbers = #tpu.dot_dimension_numbers<[1], [0], [0], [1], [0, 0, 1, 1], [], []>, transpose_lhs_hint = false} : vector<500x128xf32>, vector<128x128xf32>, vector<500x128xf32> -> vector<500x128xf32>
    %mul3A_715 = arith.mulf %get3A_687, %dot_general3A_712 : vector<500x128xf32>
    %mul3A_716 = arith.mulf %mul3A_715, %dot_general3A_714 : vector<500x128xf32>
    %dot_general3A_717 = arith.constant dense<0.000000e+00> : vector<500x2xf32>
    %dot_general3A_718 = tpu.matmul %mul3A_716, %convert_element_type3A_36, %dot_general3A_717 {dimension_numbers = #tpu.dot_dimension_numbers<[1], [0], [0], [1], [0, 0, 1, 1], [], []>, transpose_lhs_hint = false} : vector<500x128xf32>, vector<128x2xf32>, vector<500x2xf32> -> vector<500x2xf32>
    %dot_general3A_719 = arith.constant dense<0.000000e+00> : vector<500x2xf32>
    %dot_general3A_720 = tpu.matmul %mul3A_715, %convert_element_type3A_36, %dot_general3A_719 {dimension_numbers = #tpu.dot_dimension_numbers<[1], [0], [0], [1], [0, 0, 1, 1], [], []>, transpose_lhs_hint = false} : vector<500x128xf32>, vector<128x2xf32>, vector<500x2xf32> -> vector<500x2xf32>
    %div3A_721 = arith.divf %dot_general3A_718, %dot_general3A_720 : vector<500x2xf32>
    %swap3A_722 = arith.constant 15 : index
    %swap3A_723 = arith.constant 0 : index
    %swap3A_724 = arith.constant 0 : index
    %swap3A_725 = vector.load %arg4[%swap3A_722, %swap3A_723, %swap3A_724] : memref<16x500x2xf32, #tpu.memory_space<vmem>>, vector<1x500x2xf32>
    %swap3A_726 = vector.shape_cast %swap3A_725 : vector<1x500x2xf32> to vector<500x2xf32>
    %swap3A_727 = vector.shape_cast %div3A_721 : vector<500x2xf32> to vector<1x500x2xf32>
    tpu.vector_store %arg4[%swap3A_722, %swap3A_723, %swap3A_724], %swap3A_727 {strides = array<i32>} : memref<16x500x2xf32, #tpu.memory_space<vmem>>, vector<1x500x2xf32>,
    return
  }
  func.func @transform_0(%arg0: i32) -> (i32, i32) {
    %c0_i32 = arith.constant 0 : i32
    %c0_i32_0 = arith.constant 0 : i32
    return %arg0, %c0_i32 : i32, i32
  }
  func.func @transform_1(%arg0: i32) -> (i32, i32, i32) {
    %c0_i32 = arith.constant 0 : i32
    %c0_i32_0 = arith.constant 0 : i32
    %c0_i32_1 = arith.constant 0 : i32
    return %arg0, %c0_i32, %c0_i32_0 : i32, i32, i32
  }
  func.func @transform_2(%arg0: i32) -> (i32, i32, i32) {
    %c0_i32 = arith.constant 0 : i32
    %c0_i32_0 = arith.constant 0 : i32
    %c0_i32_1 = arith.constant 0 : i32
    return %arg0, %c0_i32, %c0_i32_0 : i32, i32, i32
  }
  func.func @transform_3(%arg0: i32) -> (i32, i32, i32) {
    %c0_i32 = arith.constant 0 : i32
    %c0_i32_0 = arith.constant 0 : i32
    %c0_i32_1 = arith.constant 0 : i32
    return %arg0, %c0_i32, %c0_i32_0 : i32, i32, i32
  }
}

</mosaic_0001>

<sc_bundles>
// kernel: kernel.5.cloned.1.call-start
scs
__scs_entry_jumppad:
0x0: {  	(pc) =	sbr.rel $0x88, $3  }
0x1: {  	(tag) =	ssettag $0x0;
	lr =	simm.s32 $0x1  }
0x2: {  	[smem:$0x3F9B] =	sst lr;
	_ =	strace $0xD0000000  }
0x3: {  	_ = 	snop  }
0x4: {  	_ = 	snop  }
0x5: {  	_ = 	snop  }
0x6: {  	_ = 	snop  }
0x7: {  	_ = 	snop  }
__scs_overlays_trampoline_lowered:
0x8: {  	[smem:$0x3FAA] =	sst s0  }
0x9: {  	[smem:$0x3FAB] =	sst s1  }
0xa: {  	[smem:$0x3FAC] =	sst s2  }
0xb: {  	[smem:$0x3FAD] =	sst s3  }
0xc: {  	[smem:$0x3FAE] =	sst s4  }
0xd: {  	[smem:$0x3FAF] =	sst s5  }
0xe: {  	[smem:$0x3FB0] =	sst s6  }
0xf: {  	[smem:$0x3FB1] =	sst s7  }
0x10: {  	[smem:$0x3FB2] =	sst s8  }
0x11: {  	[smem:$0x3FB3] =	sst s9;
	s0 =	simm.s32 @!p0 $0x0  }
0x12: {  	s1 =	sld [smem:$0x3F99];
	s0 =	simm.s32 @p0 $0x1  }
0x13: {  	[smem:$0x3FB4] =	sst s0;
	s0 =	simm.s32 @!p1 $0x0  }
0x14: {  	s2 =	sld [smem:$0x3F98];
	s0 =	simm.s32 @p1 $0x1  }
0x15: {  	[smem:$0x3FB5] =	sst s0;
	s0 =	simm.s32 @!p2 $0x0  }
0x16: {  	s3 =	sld [smem:$0x3FDB];
	s0 =	simm.s32 @p2 $0x1  }
0x17: {  	s4 =	simm.s32 $0x1BF5;
	[smem:$0x3FB7] =	sst s0  }
0x18: {  	s0 =	sld [smem:$0x3F9A];
	_ =	swait.ge [sflag:s4], $0x0  }
0x19: {  	s7 =	sld [smem:$0x3F9B]  }
0x1a: {  	s8 =	sadd.s32 $0xFFFFE003, lr  }
0x1b: {  	s9 =	sadd.s32 $0xFFFFFEF7, lr;
	s5 =	simm.s32 $0xFFFFFFFF;
	p2 =	slt.u32 s8, $0xFFFFF086  }
0x1c: {  	p1 =	slt.u32 s9, $0xF7A;
	s5 =	simm.s32 @!p2 $0x0  }
0x1d: {  	s5 =	simm.s32 @p1 $0x1;
	p0 =	seq.s32 s7, s2  }
0x1e: {  	s7 =	smul.u32 @!p0 $0xF7A, s2;
	p2 =	seq.s32 @!p0 s5, $0x0  }
0x1f: {  	s9 =	smul.u32 $0xF7A, s1;
	s8 =	simm.s32 @!p0 $0x1BF5;
	p2 =	por !p2, p0  }
0x20: {  	[sflag:s8] =	ssyncset.s32 @!p0 $0xFFFFF086;
	s6 =	sadd.s32 @!p0 s3, s7;
	s7 =	simm.s32 @!p0 $0x108  }
0x21: {  	s3 =	sadd.s32 s3, s9;
	s6 =	sadd.s32 @!p0 $0x88, s6;
	s7 =	simm.s32 @p2 $0x1082  }
0x22: {  	[simem:s7], [sflag:s8] =	dma.local @!p0 [hbm:s6], $0xF7A  }
0x23: {  	s9 =	sor.u32 $0xD0000000, s2;
	s6 =	simm.s32 $0x108;
	_ =	swait.ge @!p0 [sflag:s8], $0x0  }
0x24: {  	s3 =	sadd.s32 $0x88, s3;
	s6 =	simm.s32 @!p1 $0x1082;
	[sflag:s4] =	ssyncset.s32 $0xFFFFF086  }
0x25: {  	[simem:s6], [sflag:s4] =	dma.local [hbm:s3], $0xF7A  }
0x26: {  	[smem:$0x3F9B] =	sst s1;
	(tag) =	ssettag s2;
	_ =	strace s9  }
0x27: {  	s1 =	sld [smem:$0x3FAB]  }
0x28: {  	s2 =	sld [smem:$0x3FAC]  }
0x29: {  	s4 =	sld [smem:$0x3FAE]  }
0x2a: {  	p0 =	seq.s32 s5, $0x0;
	s5 =	sld [smem:$0x3FAF]  }
0x2b: {  	s6 =	sld [smem:$0x3FB0]  }
0x2c: {  	s7 =	sld [smem:$0x3FB1]  }
0x2d: {  	s3 =	simm.s32 $0x108;
	s8 =	sld [smem:$0x3FB2]  }
0x2e: {  	s3 =	simm.s32 @!p0 $0x1082;
	s9 =	sld [smem:$0x3FB3]  }
0x2f: {  	lr =	sadd.s32 s0, s3;
	s0 =	sld [smem:$0x3FAA]  }
0x30: {  	s3 =	sld [smem:$0x3FAD]  }
0x31: {  	[smem:$0x3FB6] =	sst s10  }
0x32: {  	s10 =	sld [smem:$0x3FB4];
	_ =	sdelay $0x3  }
0x33: {  	p0 =	seq.s32 s10, $0x1;
	s10 =	sld [smem:$0x3FB6];
	_ =	sdelay $0x3  }
0x34: {  	[smem:$0x3FB6] =	sst s10  }
0x35: {  	s10 =	sld [smem:$0x3FB5];
	_ =	sdelay $0x3  }
0x36: {  	p1 =	seq.s32 s10, $0x1;
	s10 =	sld [smem:$0x3FB6];
	_ =	sdelay $0x3  }
0x37: {  	[smem:$0x3FB6] =	sst s10  }
0x38: {  	s10 =	sld [smem:$0x3FB7]  }
0x39: {  	_ = 	snop;
	(pc) =	sbr.ind lr, $3  }
0x3a: {  	_ = 	snop  }
0x3b: {  	_ = 	snop  }
0x3c: {  	p2 =	seq.s32 s10, $0x1;
	s10 =	sld [smem:$0x3FB6]  }
0x3d: {  	_ =	shalt  }
0x3e: {  	_ =	shalt  }
0x3f: {  	_ =	shalt  }
0x40: {  	_ =	shalt  }
0x41: {  	_ =	shalt  }
0x42: {  	_ =	shalt  }
0x43: {  	_ =	shalt  }
0x44: {  	_ =	shalt  }
0x45: {  	_ =	shalt  }
0x46: {  	_ =	shalt  }
0x47: {  	_ =	shalt  }
0x48: {  	_ =	shalt  }
0x49: {  	_ =	shalt  }
0x4a: {  	_ =	shalt  }
0x4b: {  	_ =	shalt  }
0x4c: {  	_ =	shalt  }
0x4d: {  	_ =	shalt  }
0x4e: {  	_ =	shalt  }
0x4f: {  	_ =	shalt  }
0x50: {  	_ =	shalt  }
0x51: {  	_ =	shalt  }
0x52: {  	_ =	shalt  }
0x53: {  	_ =	shalt  }
0x54: {  	_ =	shalt  }
0x55: {  	_ =	shalt  }
0x56: {  	_ =	shalt  }
0x57: {  	_ =	shalt  }
0x58: {  	_ =	shalt  }
0x59: {  	_ =	shalt  }
0x5a: {  	_ =	shalt  }
0x5b: {  	_ =	shalt  }
0x5c: {  	_ =	shalt  }
0x5d: {  	_ =	shalt  }
0x5e: {  	_ =	shalt  }
0x5f: {  	_ =	shalt  }
0x60: {  	_ =	shalt  }
0x61: {  	_ =	shalt  }
0x62: {  	_ =	shalt  }
0x63: {  	_ =	shalt  }
0x64: {  	_ =	shalt  }
0x65: {  	_ =	shalt  }
0x66: {  	_ =	shalt  }
0x67: {  	_ =	shalt  }
0x68: {  	_ =	shalt  }
0x69: {  	_ =	shalt  }
0x6a: {  	_ =	shalt  }
0x6b: {  	_ =	shalt  }
0x6c: {  	_ =	shalt  }
0x6d: {  	_ =	shalt  }
0x6e: {  	_ =	shalt  }
0x6f: {  	_ =	shalt  }
0x70: {  	_ =	shalt  }
0x71: {  	_ =	shalt  }
0x72: {  	_ =	shalt  }
0x73: {  	_ =	shalt  }
0x74: {  	_ =	shalt  }
0x75: {  	_ =	shalt  }
0x76: {  	_ =	shalt  }
0x77: {  	_ =	shalt  }
0x78: {  	_ =	shalt  }
0x79: {  	_ =	shalt  }
0x7a: {  	_ =	shalt  }
0x7b: {  	_ =	shalt  }
0x7c: {  	_ =	shalt  }
0x7d: {  	_ =	shalt  }
0x7e: {  	_ =	shalt  }
0x7f: {  	_ =	shalt  }
0x80: {  	_ =	shalt  }
0x81: {  	_ =	shalt  }
0x82: {  	_ =	shalt  }
0x83: {  	_ =	shalt  }
0x84: {  	_ =	shalt  }
0x85: {  	_ =	shalt  }
0x86: {  	_ =	shalt  }
0x87: {  	_ =	shalt  }
.Lfunc_end0:
.L_simem_size_0:
called_computation_lowered:
.L_overlay_start_0:
0x88: {  	s2 =	sld [smem:$0x3FD9]  }
0x89: {  	s3 =	sld [smem:$0x3FFE];
	_ =	sdelay $0x1  }
0x8a: {  	s1 =	srdreg.scid  }
0x8b: {  	s0 =	sand.u32 $0x1, s1  }
0x8c: {  	s17 =	sshll.u32 s0, $0xA;
	s2 =	sadd.s32 s3, s2  }
0x8d: {  	s2 =	sadd.s32 s2, s17  }
0x8e: {  	[smem:$0x3FC2] =	sst s2  }
0x8f: {  	_ = 	snop  }
0x90: {  	s18 =	sld [smem:$0x3FD0];
	(tm) =	ssettm $0x1  }
0x91: {  	s19 =	sld [smem:$0x3FFB];
	_ =	sdelay $0x3  }
0x92: {  	_ =	strace s19  }
0x93: {  	s2 =	sld [smem:$0x3FFC];
	_ =	sdelay $0x3  }
0x94: {  	_ =	strace s2  }
0x95: {  	s2 =	sld [smem:$0x3FFD];
	_ =	sdelay $0x3  }
0x96: {  	_ =	strace s2  }
0x97: {  	_ =	strace $0x8FFFFFFF  }
0x98: {  	s20 =	sld [smem:$0x3FDB];
	_ =	sdelay $0x1  }
0x99: {  	s4 =	simm.s32 $_scs_section_size  }
0x9a: {  	s5 =	simm.s32 $_size__tile_overlayer_lowered;
	s6 =	simm.s32 $_tile_overlayer_lowered  }
0x9b: {  	s7 =	simm.s32 $0x1BFF;
	s21 =	sshll.u32 s6, $0x1;
	s4 =	sadd.s32 s4, s20  }
0x9c: {  	s22 =	simm.s32 $0x0;
	s5 =	sshll.u32 s5, $0x1;
	s6 =	sadd.s32 s21, s4  }
0x9d: {  	[timem:s22], [sflag:s7] =	dma.local [hbm:s6], s5  }
0x9e: {  	_ =	swait.ge [sflag:s7], s5  }
0x9f: {  	s5 =	ssub.s32 $0x0, s5;
	[sflag:s7] =	ssyncset.done $0x0  }
0xa0: {  	[sflag:s7] =	ssyncadd.s32 s5;
	_ =	sdelay $0x1  }
0xa1: {  	s23 =	simm.s32 $0x1B8B  }
0xa2: {  	_ =	swait.ge [sflag:s23], $0x1  }
0xa3: {  	[sflag:s23] =	ssyncset.done $0x0  }
0xa4: {  	[sflag:s23] =	ssyncadd.s32 $0xFFFFFFFF  }
0xa5: {  	s5 =	sld [smem:$0x0]  }
0xa6: {  	s6 =	sand.u32 $0xFFFFFFFE, s1  }
0xa7: {  	p0 =	sne.s32 s1, s6  }
0xa8: {  	s6 =	sshll.u32 @p0 s6, $0xE  }
0xa9: {  	s6 =	sadd.s32 @p0 $0x11B8D, s6;
	s7 =	sshll.u32 @p0 s5, $0x11  }
0xaa: {  	s6 =	sor.u32 @p0 s7, s6  }
0xab: {  	[sflag:s6] =	ssyncadd.remote.s32 @p0 $0x1;
	_ =	sdelay $0x1  }
0xac: {  	s6 =	simm.s32 @p0 $0x1B8D  }
0xad: {  	_ =	swait.eq @p0 [sflag:s6], $0x1  }
0xae: {  	[sflag:s6] =	ssyncadd.s32 @p0 $0xFFFFFFFF  }
0xaf: {  	s7 =	sshll.u32 @!p0 s1, $0xE  }
0xb0: {  	s7 =	sor.u32 @!p0 $0x4000, s7;
	s6 =	simm.s32 @!p0 $0x1B8D  }
0xb1: {  	s5 =	sshll.u32 @!p0 s5, $0x11;
	s7 =	sadd.s32 @!p0 $0x11B8D, s7;
	_ =	swait.eq @!p0 [sflag:s6], $0x1  }
0xb2: {  	s5 =	sor.u32 @!p0 s5, s7;
	[sflag:s6] =	ssyncadd.s32 @!p0 $0xFFFFFFFF  }
0xb3: {  	s25 =	simm.s32 $0x1B8E;
	s24 =	sld [smem:$0x3FFE];
	[sflag:s5] =	ssyncadd.remote.s32 @!p0 $0x1  }
0xb4: {  	s26 =	simm.s32 $execute0_lowered;
	[smem:$0x3FD2] =	sst s25  }
0xb5: {  	s6 =	sshll.u32 s26, $0x1;
	_ =	strace $0x80000049;
	[dreg:$0x1] =	wrdreg $0xFFFFFFFF  }
0xb6: {  	s28 =	simm.s32 $_size_execute0_lowered;
	s4 =	sadd.s32 s4, s6;
	[dreg:$0x0] =	wrdreg $0x0  }
0xb7: {  	s6 =	sshll.u32 s28, $0x1;
	[dreg:$0x2] =	wrdreg s4  }
0xb8: {  	[dreg:$0x3] =	wrdreg s6  }
0xb9: {  	[dreg:$0x4] =	wrdreg $0xC0  }
0xba: {  	_ =	task [dreg:s22], $0x5FFFF  }
0xbb: {  	[dreg:$0x1] =	wrdreg $0xFFFFFFFF  }
0xbc: {  	[dreg:$0x0] =	wrdreg $0x60  }
0xbd: {  	[dreg:$0x2] =	wrdreg s24  }
0xbe: {  	[dreg:$0x3] =	wrdreg s18  }
0xbf: {  	[dreg:$0x4] =	wrdreg $0x9  }
0xc0: {  	_ =	task.clear_ibuf [dreg:s22], $0x5FFFF;
	_ =	strace $0x90000049  }
0xc1: {  	s29 =	simm.s32 $0x9;
	_ =	strace $0x8000004B  }
0xc2: {  	_ =	swait.ge [sflag:s29], $0x1  }
0xc3: {  	[sflag:s29] =	ssyncadd.s32 $0xFFFFFFFF  }
0xc4: {  	_ =	strace $0x9000004B  }
0xc5: {  	_ =	sfence  }
0xc6: {  	s30 =	sld [smem:$0x0];
	_ =	sdelay $0x2  }
0xc7: {  	s31 =	sshll.u32 s1, $0xD;
	s1 =	sshrl.u32 s1, $0x2  }
0xc8: {  	s4 =	sand.u32 $0x4000, s31;
	s1 =	sadd.s32 s1, s30  }
0xc9: {  	s0 =	sor.u32 s4, s0;
	s1 =	sshll.u32 s1, $0x11  }
0xca: {  	s0 =	sor.u32 s1, s0  }
0xcb: {  	s0 =	sadd.s32 $0x8F2B, s0  }
0xcc: {  	[sflag:s0] =	ssyncadd.remote.s32 $0x1  }
0xcd: {  	_ =	sfence.sel $0xFFFF  }
0xce: {  	[dreg:$0x0] =	wrdreg $0xFFFFFFFF;
	(pc) =	sbr.abs _section_cstart, $3  }
0xcf: {  	[dreg:$0x1] =	wrdreg $0xFFFFFFFF  }
0xd0: {  	_ =	task.clear_ibuf [dreg:s22], $0x2FFFF;
	_ =	strace $0x9FFFFFFF  }
0xd1: {  	(tm) =	ssettm $0x7FFFFFFF  }
tec
execute0_lowered:
.L_overlay_start_1:
0x0: {  	(tag) =	ssettag $0x1  }
0x1: {  	s0 =	rddreg [dreg:$0x0]  }
0x2: {  	s1 =	srdreg.scid;
	s10 =	stileid.u32  }
0x3: {  	s4 =	rddreg [dreg:$0x1];
	s2 =	simm.s32 $0x0;
	s11 =	simm.s32 $0x80  }
0x4: {  	s12 =	simm.s32 $0x7D00;
	s13 =	simm.s32 $0x9D00;
	s15 =	simm.s32 $0xBD00  }
0x5: {  	s17 =	simm.s32 $0xDD00;
	s19 =	simm.s32 $0xFD00;
	s20 =	simm.s32 $0x1  }
0x6: {  	s21 =	simm.s32 $0x11D00;
	s22 =	simm.s32 $0x13D00;
	s23 =	simm.s32 $0x15D00  }
0x7: {  	s24 =	simm.s32 $0x17D00;
	s25 =	simm.s32 $0x19D00;
	s9 =	smul.u32 $0xFA00, s10  }
0x8: {  	s28 =	simm.s32 $0x3;
	s1 =	sand.u32 $0x1, s1;
	s30 =	smul.u32 $0x7D000, s10  }
0x9: {  	s29 =	simm.s32 $0x4;
	s3 =	sshll.u32 s10, $0x1;
	s26 =	smul.u32 $0x7D00, s1  }
0xa: {  	s3 =	sor.u32 s1, s3;
	s6 =	ssub.s32 $0x2, s1;
	s1 =	smul.u32 $0x3E800, s1  }
0xb: {  	s16 =	simm.s32 $0x0;
	[smem:$0x7FF] =	sst s2;
	s5 =	smul.u32 $0x7D00, s3  }
0xc: {  	s10 =	simm.s32 $0x5;
	_ =	strace $0x8000004A;
	s7 =	smul.u32 $0x3E800, s3  }
0xd: {  	s3 =	sadd.s32 $0x62C600, s0;
	s8 =	sshrl.u32 s6, $0x1;
	s0 =	sadd.s32 $0x6EFC00, s0  }
0xe: {  	s6 =	ssub.s32 s6, s8;
	s8 =	sadd.s32 s26, s9;
	s26 =	simm.s32 $0x2  }
0xf: {  	s5 =	sshrl.u32 s5, $0x3;
	s7 =	sadd.s32 s0, s7;
	s8 =	sshll.u32 s8, $0x3  }
0x10: {  	s4 =	sadd.s32 s4, s5;
	s5 =	smax.u32 s6, $0x1;
	s6 =	sadd.s32 $0x3C000, s7  }
0x11: {  	s7 =	sadd.s32 $0x3D400, s7;
	s8 =	sadd.s32 s0, s8;
	s0 =	sadd.s32 s30, s0  }
0x12: {  	[dreg:$0x3] =	wrdreg s4;
	s31 =	sadd.s32 $0x1400, s8;
	s1 =	sadd.s32 s1, s0  }
.LBB2_1:
0x13: {  	s0 =	rddreg [dreg:$0x3]  }
0x14: {  	[tilespmem:s2], [sflag:$0x5] =	stream.linear.gather [hbm4b:s0+s2], $0x7D00, $0x38;
	[tilespmem:$0x1BD00] =	vst v63  }
0x15: {  	_ =	swait.ge [sflag:s10], $0x7D00  }
0x16: {  	[sflag:s10] =	ssyncset.done $0x0  }
0x17: {  	[sflag:s10] =	ssyncadd.s32 $0xFFFF8300  }
0x18: {  	[tilespmem:s12], [sflag:$0x1] =	stream.indirect.gather [hbm4b:s3+s11], $0x40, s2, s11, $0xb8;
	[tilespmem:$0x1BD00] =	vst v63  }
0x19: {  	_ = 	snop  }
0x1a: {  	[tilespmem:s13], [sflag:$0x1] =	stream.indirect.gather [hbm4b:s3+s11], $0x40, s11, s11, $0xb8;
	[tilespmem:$0x1BD00] =	vst v63  }
0x1b: {  	s18 =	simm.s32 $0x100  }
0x1c: {  	[tilespmem:s15], [sflag:$0x1] =	stream.indirect.gather [hbm4b:s3+s11], $0x40, s18, s11, $0xb8;
	[tilespmem:$0x1BD00] =	vst v63  }
0x1d: {  	s4 =	simm.s32 $0x180  }
0x1e: {  	[tilespmem:s17], [sflag:$0x1] =	stream.indirect.gather [hbm4b:s3+s11], $0x40, s4, s11, $0xb8;
	[tilespmem:$0x1BD00] =	vst v63  }
0x1f: {  	s8 =	simm.s32 $0x200  }
0x20: {  	[tilespmem:s19], [sflag:$0x1] =	stream.indirect.gather [hbm4b:s3+s11], $0x40, s8, s11, $0xb8;
	[tilespmem:$0x1BD00] =	vst v63  }
0x21: {  	_ =	swait.ge [sflag:s20], $0xA000  }
0x22: {  	p0 =	por $0x1, $0x1;
	[sflag:s20] =	ssyncset.done $0x0  }
0x23: {  	s0 =	simm.s32 @!p0 $0x4;
	[sflag:s20] =	ssyncadd.s32 $0xFFFF6000  }
0x24: {  	[hbm4b:s1+s2] =	stream.linear.scatter [tilespmem:s12], [sflag:$0x3], $0xA000, $0x38;
	[tilespmem:$0x1BD00] =	vst v63  }
0x25: {  	_ =	swait.ge @!p0 [sflag:s0], $0xA000  }
0x26: {  	[sflag:s0] =	ssyncset.done @!p0 $0x0  }
0x27: {  	s8 =	simm.s32 $0x280;
	[sflag:s0] =	ssyncadd.s32 @!p0 $0xFFFF6000  }
0x28: {  	[tilespmem:s21], [sflag:$0x2] =	stream.indirect.gather [hbm4b:s3+s11], $0x40, s8, s11, $0xb8;
	[tilespmem:$0x1BD00] =	vst v63  }
0x29: {  	s9 =	simm.s32 $0x300  }
0x2a: {  	[tilespmem:s22], [sflag:$0x2] =	stream.indirect.gather [hbm4b:s3+s11], $0x40, s9, s11, $0xb8;
	[tilespmem:$0x1BD00] =	vst v63  }
0x2b: {  	s14 =	simm.s32 $0x380  }
0x2c: {  	[tilespmem:s23], [sflag:$0x2] =	stream.indirect.gather [hbm4b:s3+s11], $0x40, s14, s11, $0xb8;
	[tilespmem:$0x1BD00] =	vst v63  }
0x2d: {  	s18 =	simm.s32 $0x400  }
0x2e: {  	[tilespmem:s24], [sflag:$0x2] =	stream.indirect.gather [hbm4b:s3+s11], $0x40, s18, s11, $0xb8;
	[tilespmem:$0x1BD00] =	vst v63  }
0x2f: {  	s4 =	simm.s32 $0x480  }
0x30: {  	[tilespmem:s25], [sflag:$0x2] =	stream.indirect.gather [hbm4b:s3+s11], $0x40, s4, s11, $0xb8;
	[tilespmem:$0x1BD00] =	vst v63  }
0x31: {  	_ =	swait.ge [sflag:s26], $0xA000  }
0x32: {  	[sflag:s26] =	ssyncset.done $0x0  }
0x33: {  	[sflag:s26] =	ssyncadd.s32 $0xFFFF6000  }
0x34: {  	[hbm4b:s31+s2] =	stream.linear.scatter [tilespmem:s21], [sflag:$0x4], $0xA000, $0x38;
	[tilespmem:$0x1BD00] =	vst v63  }
0x35: {  	_ =	swait.ge [sflag:s28], $0xA000  }
0x36: {  	[sflag:s28] =	ssyncset.done $0x0  }
0x37: {  	s8 =	simm.s32 $0x500;
	[sflag:s28] =	ssyncadd.s32 $0xFFFF6000  }
0x38: {  	[tilespmem:s12], [sflag:$0x1] =	stream.indirect.gather [hbm4b:s3+s11], $0x40, s8, s11, $0xb8;
	[tilespmem:$0x1BD00] =	vst v63  }
0x39: {  	s9 =	simm.s32 $0x580  }
0x3a: {  	[tilespmem:s13], [sflag:$0x1] =	stream.indirect.gather [hbm4b:s3+s11], $0x40, s9, s11, $0xb8;
	[tilespmem:$0x1BD00] =	vst v63  }
0x3b: {  	s14 =	simm.s32 $0x600  }
0x3c: {  	[tilespmem:s15], [sflag:$0x1] =	stream.indirect.gather [hbm4b:s3+s11], $0x40, s14, s11, $0xb8;
	[tilespmem:$0x1BD00] =	vst v63  }
0x3d: {  	s30 =	simm.s32 $0x0;
	s0 =	simm.s32 $0x700;
	s18 =	simm.s32 $0x680  }
0x3e: {  	[tilespmem:s17], [sflag:$0x1] =	stream.indirect.gather [hbm4b:s3+s11], $0x40, s18, s11, $0xb8;
	[tilespmem:$0x1BD00] =	vst v63  }
0x3f: {  	s8 =	smov.u32 s31;
	s9 =	smov.u32 s1;
	s18 =	simm.s32 $0x1400  }
.LBB2_2:
0x40: {  	s8 =	sadd.s32 $0x2800, s8  }
0x41: {  	s9 =	sadd.s32 $0x2800, s9;
	s14 =	smov.u32 s18;
	s18 =	sadd.s32 $0x1400, s18  }
0x42: {  	[tilespmem:s19], [sflag:$0x1] =	stream.indirect.gather [hbm4b:s3+s11], $0x40, s0, s11, $0xb8;
	[tilespmem:$0x1BD00] =	vst v63  }
0x43: {  	p0 =	sne.s32 s18, $0x1E000;
	_ =	swait.ge [sflag:s20], $0xA000  }
0x44: {  	[sflag:s20] =	ssyncset.done $0x0  }
0x45: {  	p1 =	sgt.u32 s30, $0x2F;
	[sflag:s20] =	ssyncadd.s32 $0xFFFF6000  }
0x46: {  	[hbm4b:s9+s2] =	stream.linear.scatter [tilespmem:s12], [sflag:$0x3], $0xA000, $0x38;
	[tilespmem:$0x1BD00] =	vst v63  }
0x47: {  	s0 =	simm.s32 @!p1 $0x4  }
0x48: {  	s14 =	sshra.s32 s14, $0x2;
	_ =	swait.ge @!p1 [sflag:s0], $0xA000  }
0x49: {  	s4 =	sadd.s32 $0x280, s14;
	[sflag:s0] =	ssyncset.done @!p1 $0x0  }
0x4a: {  	[sflag:s0] =	ssyncadd.s32 @!p1 $0xFFFF6000;
	s0 =	sadd.s32 $0x300, s14  }
0x4b: {  	[tilespmem:s21], [sflag:$0x2] =	stream.indirect.gather [hbm4b:s3+s11], $0x40, s4, s11, $0xb8;
	[tilespmem:$0x1BD00] =	vst v63  }
0x4c: {  	s4 =	sadd.s32 $0x380, s14  }
0x4d: {  	[tilespmem:s22], [sflag:$0x2] =	stream.indirect.gather [hbm4b:s3+s11], $0x40, s0, s11, $0xb8;
	[tilespmem:$0x1BD00] =	vst v63  }
0x4e: {  	s0 =	sadd.s32 $0x400, s14  }
0x4f: {  	[tilespmem:s23], [sflag:$0x2] =	stream.indirect.gather [hbm4b:s3+s11], $0x40, s4, s11, $0xb8;
	[tilespmem:$0x1BD00] =	vst v63  }
0x50: {  	s4 =	sadd.s32 $0x480, s14  }
0x51: {  	[tilespmem:s24], [sflag:$0x2] =	stream.indirect.gather [hbm4b:s3+s11], $0x40, s0, s11, $0xb8;
	[tilespmem:$0x1BD00] =	vst v63  }
0x52: {  	_ = 	snop  }
0x53: {  	[tilespmem:s25], [sflag:$0x2] =	stream.indirect.gather [hbm4b:s3+s11], $0x40, s4, s11, $0xb8;
	[tilespmem:$0x1BD00] =	vst v63  }
0x54: {  	_ =	swait.ge [sflag:s26], $0xA000  }
0x55: {  	[sflag:s26] =	ssyncset.done $0x0  }
0x56: {  	[sflag:s26] =	ssyncadd.s32 $0xFFFF6000  }
0x57: {  	[hbm4b:s8+s2] =	stream.linear.scatter [tilespmem:s21], [sflag:$0x4], $0xA000, $0x38;
	[tilespmem:$0x1BD00] =	vst v63  }
0x58: {  	_ =	swait.ge [sflag:s28], $0xA000  }
0x59: {  	s0 =	sadd.s32 $0x500, s14;
	[sflag:s28] =	ssyncset.done $0x0  }
0x5a: {  	s4 =	sadd.s32 $0x580, s14;
	[sflag:s28] =	ssyncadd.s32 $0xFFFF6000  }
0x5b: {  	[tilespmem:s12], [sflag:$0x1] =	stream.indirect.gather [hbm4b:s3+s11], $0x40, s0, s11, $0xb8;
	[tilespmem:$0x1BD00] =	vst v63  }
0x5c: {  	s0 =	sadd.s32 $0x600, s14  }
0x5d: {  	[tilespmem:s13], [sflag:$0x1] =	stream.indirect.gather [hbm4b:s3+s11], $0x40, s4, s11, $0xb8;
	[tilespmem:$0x1BD00] =	vst v63  }
.Ltmp0:
0x5e: {  	_ = 	snop;
	(pc) =	sbr.rel @p0 .LBB2_2-.Ltmp0, $4  }
0x5f: {  	s4 =	sadd.s32 $0x680, s14  }
0x60: {  	[tilespmem:s15], [sflag:$0x1] =	stream.indirect.gather [hbm4b:s3+s11], $0x40, s0, s11, $0xb8;
	[tilespmem:$0x1BD00] =	vst v63  }
0x61: {  	s30 =	sadd.s32 $0x2, s30;
	s0 =	sadd.s32 $0x700, s14  }
0x62: {  	[tilespmem:s17], [sflag:$0x1] =	stream.indirect.gather [hbm4b:s3+s11], $0x40, s4, s11, $0xb8;
	[tilespmem:$0x1BD00] =	vst v63  }
0x63: {  	[tilespmem:s19], [sflag:$0x1] =	stream.indirect.gather [hbm4b:s3+s11], $0x40, s0, s11, $0xb8;
	[tilespmem:$0x1BD00] =	vst v63  }
0x64: {  	_ =	swait.ge [sflag:s20], $0xA000  }
0x65: {  	[sflag:s20] =	ssyncset.done $0x0  }
0x66: {  	[sflag:s20] =	ssyncadd.s32 $0xFFFF6000  }
0x67: {  	[hbm4b:s6+s2] =	stream.linear.scatter [tilespmem:s12], [sflag:$0x3], $0xA000, $0x38;
	[tilespmem:$0x1BD00] =	vst v63  }
0x68: {  	_ =	swait.ge [sflag:s29], $0xA000  }
0x69: {  	[sflag:s29] =	ssyncset.done $0x0  }
0x6a: {  	s8 =	simm.s32 $0x7A80;
	[sflag:s29] =	ssyncadd.s32 $0xFFFF6000  }
0x6b: {  	[tilespmem:s21], [sflag:$0x2] =	stream.indirect.gather [hbm4b:s3+s11], $0x40, s8, s11, $0xb8;
	[tilespmem:$0x1BD00] =	vst v63  }
0x6c: {  	s9 =	simm.s32 $0x7B00  }
0x6d: {  	[tilespmem:s22], [sflag:$0x2] =	stream.indirect.gather [hbm4b:s3+s11], $0x40, s9, s11, $0xb8;
	[tilespmem:$0x1BD00] =	vst v63  }
0x6e: {  	s14 =	simm.s32 $0x7B80  }
0x6f: {  	[tilespmem:s23], [sflag:$0x2] =	stream.indirect.gather [hbm4b:s3+s11], $0x40, s14, s11, $0xb8;
	[tilespmem:$0x1BD00] =	vst v63  }
0x70: {  	s18 =	simm.s32 $0x7C00  }
0x71: {  	[tilespmem:s24], [sflag:$0x2] =	stream.indirect.gather [hbm4b:s3+s11], $0x40, s18, s11, $0xb8;
	[tilespmem:$0x1BD00] =	vst v63  }
0x72: {  	s30 =	simm.s32 $0x7C80  }
0x73: {  	[tilespmem:s25], [sflag:$0x2] =	stream.indirect.gather [hbm4b:s3+s11], $0x40, s30, s11, $0xb8;
	[tilespmem:$0x1BD00] =	vst v63  }
0x74: {  	_ =	swait.ge [sflag:s26], $0xA000  }
0x75: {  	[sflag:s26] =	ssyncset.done $0x0  }
0x76: {  	s16 =	sadd.s32 $0x1, s16;
	[sflag:s26] =	ssyncadd.s32 $0xFFFF6000  }
0x77: {  	[hbm4b:s7+s2] =	stream.linear.scatter [tilespmem:s21], [sflag:$0x4], $0xA000, $0x38;
	[tilespmem:$0x1BD00] =	vst v63  }
0x78: {  	p0 =	sne.s32 s16, s5;
	_ =	swait.ge [sflag:s28], $0xA000  }
.Ltmp1:
0x79: {  	[sflag:s28] =	ssyncset.done $0x0;
	(pc) =	sbr.rel @p0 .LBB2_1-.Ltmp1, $4  }
0x7a: {  	[sflag:s28] =	ssyncadd.s32 $0xFFFF6000  }
0x7b: {  	_ =	swait.ge [sflag:s29], $0xA000  }
0x7c: {  	[sflag:s29] =	ssyncset.done $0x0  }
0x7d: {  	[sflag:s29] =	ssyncadd.s32 $0xFFFF6000  }
0x7e: {  	_ =	sfence.sel $0x180000  }
0x7f: {  	[bflag:$0x0] =	sbarrier.arrive $0xFFFF  }
0x80: {  	_ =	strace $0x9000004A  }
0x81: {  	s0 =	stileid.u32;
	[bflag:$0x2] =	sbarrier.arrive $0xFFFF  }
0x82: {  	p0 =	sne.s32 s0, $0x0;
	s0 =	rddreg [dreg:$0x2]  }
0x83: {  	s0 =	sadd.s32 @!p0 $0x100000, s0  }
0x84: {  	[sflag:s0] =	ssyncadd.tile.s32 @!p0 $0x1;
	_ =	shalt  }
.Lfunc_end2:
_tile_overlayer_lowered:
.L_overlay_start_2:
0x85: {  	(tag) =	ssettag $0x2  }
0x86: {  	s0 =	rddreg [dreg:$0x0];
	s2 =	stileid.u32  }
0x87: {  	s1 =	rddreg [dreg:$0x1];
	p0 =	sne.s32 s2, $0x0  }
0x88: {  	s3 =	rddreg [dreg:$0x2];
	[bflag:$0x3] =	sbarrier.arrive $0xFFFF;
	s2 =	simm.s32 @!p0 $0x1C05  }
0x89: {  	[timem:s3], [sflag:s2] =	dma.local @!p0 [hbm:s0], s1  }
0x8a: {  	s0 =	simm.s32 @!p0 $0x5  }
0x8b: {  	_ =	swait.ge @!p0 [sflag:s0], s1  }
0x8c: {  	s1 =	ssub.s32 @!p0 $0x0, s1;
	[sflag:s0] =	ssyncset.done @!p0 $0x0  }
0x8d: {  	[sflag:s0] =	ssyncadd.s32 @!p0 s1  }
0x8e: {  	[bflag:$0x3] =	sbarrier.arrive $0xFFFF  }
0x8f: {  	_ =	shalt  }

// kernel: kernel.8.cloned.1.call-start
scs
__scs_entry_jumppad:
0x0: {  	(pc) =	sbr.rel $0x88, $3  }
0x1: {  	(tag) =	ssettag $0x0;
	lr =	simm.s32 $0x1  }
0x2: {  	[smem:$0x3F9B] =	sst lr;
	_ =	strace $0xD0000000  }
0x3: {  	_ = 	snop  }
0x4: {  	_ = 	snop  }
0x5: {  	_ = 	snop  }
0x6: {  	_ = 	snop  }
0x7: {  	_ = 	snop  }
__scs_overlays_trampoline_lowered:
0x8: {  	[smem:$0x3FAA] =	sst s0  }
0x9: {  	[smem:$0x3FAB] =	sst s1  }
0xa: {  	[smem:$0x3FAC] =	sst s2  }
0xb: {  	[smem:$0x3FAD] =	sst s3  }
0xc: {  	[smem:$0x3FAE] =	sst s4  }
0xd: {  	[smem:$0x3FAF] =	sst s5  }
0xe: {  	[smem:$0x3FB0] =	sst s6  }
0xf: {  	[smem:$0x3FB1] =	sst s7  }
0x10: {  	[smem:$0x3FB2] =	sst s8  }
0x11: {  	[smem:$0x3FB3] =	sst s9;
	s0 =	simm.s32 @!p0 $0x0  }
0x12: {  	s1 =	sld [smem:$0x3F99];
	s0 =	simm.s32 @p0 $0x1  }
0x13: {  	[smem:$0x3FB4] =	sst s0;
	s0 =	simm.s32 @!p1 $0x0  }
0x14: {  	s2 =	sld [smem:$0x3F98];
	s0 =	simm.s32 @p1 $0x1  }
0x15: {  	[smem:$0x3FB5] =	sst s0;
	s0 =	simm.s32 @!p2 $0x0  }
0x16: {  	s3 =	sld [smem:$0x3FDB];
	s0 =	simm.s32 @p2 $0x1  }
0x17: {  	s4 =	simm.s32 $0x1BF5;
	[smem:$0x3FB7] =	sst s0  }
0x18: {  	s0 =	sld [smem:$0x3F9A];
	_ =	swait.ge [sflag:s4], $0x0  }
0x19: {  	s7 =	sld [smem:$0x3F9B]  }
0x1a: {  	s8 =	sadd.s32 $0xFFFFE003, lr  }
0x1b: {  	s9 =	sadd.s32 $0xFFFFFEF7, lr;
	s5 =	simm.s32 $0xFFFFFFFF;
	p2 =	slt.u32 s8, $0xFFFFF086  }
0x1c: {  	p1 =	slt.u32 s9, $0xF7A;
	s5 =	simm.s32 @!p2 $0x0  }
0x1d: {  	s5 =	simm.s32 @p1 $0x1;
	p0 =	seq.s32 s7, s2  }
0x1e: {  	s7 =	smul.u32 @!p0 $0xF7A, s2;
	p2 =	seq.s32 @!p0 s5, $0x0  }
0x1f: {  	s9 =	smul.u32 $0xF7A, s1;
	s8 =	simm.s32 @!p0 $0x1BF5;
	p2 =	por !p2, p0  }
0x20: {  	[sflag:s8] =	ssyncset.s32 @!p0 $0xFFFFF086;
	s6 =	sadd.s32 @!p0 s3, s7;
	s7 =	simm.s32 @!p0 $0x108  }
0x21: {  	s3 =	sadd.s32 s3, s9;
	s6 =	sadd.s32 @!p0 $0x88, s6;
	s7 =	simm.s32 @p2 $0x1082  }
0x22: {  	[simem:s7], [sflag:s8] =	dma.local @!p0 [hbm:s6], $0xF7A  }
0x23: {  	s9 =	sor.u32 $0xD0000000, s2;
	s6 =	simm.s32 $0x108;
	_ =	swait.ge @!p0 [sflag:s8], $0x0  }
0x24: {  	s3 =	sadd.s32 $0x88, s3;
	s6 =	simm.s32 @!p1 $0x1082;
	[sflag:s4] =	ssyncset.s32 $0xFFFFF086  }
0x25: {  	[simem:s6], [sflag:s4] =	dma.local [hbm:s3], $0xF7A  }
0x26: {  	[smem:$0x3F9B] =	sst s1;
	(tag) =	ssettag s2;
	_ =	strace s9  }
0x27: {  	s1 =	sld [smem:$0x3FAB]  }
0x28: {  	s2 =	sld [smem:$0x3FAC]  }
0x29: {  	s4 =	sld [smem:$0x3FAE]  }
0x2a: {  	p0 =	seq.s32 s5, $0x0;
	s5 =	sld [smem:$0x3FAF]  }
0x2b: {  	s6 =	sld [smem:$0x3FB0]  }
0x2c: {  	s7 =	sld [smem:$0x3FB1]  }
0x2d: {  	s3 =	simm.s32 $0x108;
	s8 =	sld [smem:$0x3FB2]  }
0x2e: {  	s3 =	simm.s32 @!p0 $0x1082;
	s9 =	sld [smem:$0x3FB3]  }
0x2f: {  	lr =	sadd.s32 s0, s3;
	s0 =	sld [smem:$0x3FAA]  }
0x30: {  	s3 =	sld [smem:$0x3FAD]  }
0x31: {  	[smem:$0x3FB6] =	sst s10  }
0x32: {  	s10 =	sld [smem:$0x3FB4];
	_ =	sdelay $0x3  }
0x33: {  	p0 =	seq.s32 s10, $0x1;
	s10 =	sld [smem:$0x3FB6];
	_ =	sdelay $0x3  }
0x34: {  	[smem:$0x3FB6] =	sst s10  }
0x35: {  	s10 =	sld [smem:$0x3FB5];
	_ =	sdelay $0x3  }
0x36: {  	p1 =	seq.s32 s10, $0x1;
	s10 =	sld [smem:$0x3FB6];
	_ =	sdelay $0x3  }
0x37: {  	[smem:$0x3FB6] =	sst s10  }
0x38: {  	s10 =	sld [smem:$0x3FB7]  }
0x39: {  	_ = 	snop;
	(pc) =	sbr.ind lr, $3  }
0x3a: {  	_ = 	snop  }
0x3b: {  	_ = 	snop  }
0x3c: {  	p2 =	seq.s32 s10, $0x1;
	s10 =	sld [smem:$0x3FB6]  }
0x3d: {  	_ =	shalt  }
0x3e: {  	_ =	shalt  }
0x3f: {  	_ =	shalt  }
0x40: {  	_ =	shalt  }
0x41: {  	_ =	shalt  }
0x42: {  	_ =	shalt  }
0x43: {  	_ =	shalt  }
0x44: {  	_ =	shalt  }
0x45: {  	_ =	shalt  }
0x46: {  	_ =	shalt  }
0x47: {  	_ =	shalt  }
0x48: {  	_ =	shalt  }
0x49: {  	_ =	shalt  }
0x4a: {  	_ =	shalt  }
0x4b: {  	_ =	shalt  }
0x4c: {  	_ =	shalt  }
0x4d: {  	_ =	shalt  }
0x4e: {  	_ =	shalt  }
0x4f: {  	_ =	shalt  }
0x50: {  	_ =	shalt  }
0x51: {  	_ =	shalt  }
0x52: {  	_ =	shalt  }
0x53: {  	_ =	shalt  }
0x54: {  	_ =	shalt  }
0x55: {  	_ =	shalt  }
0x56: {  	_ =	shalt  }
0x57: {  	_ =	shalt  }
0x58: {  	_ =	shalt  }
0x59: {  	_ =	shalt  }
0x5a: {  	_ =	shalt  }
0x5b: {  	_ =	shalt  }
0x5c: {  	_ =	shalt  }
0x5d: {  	_ =	shalt  }
0x5e: {  	_ =	shalt  }
0x5f: {  	_ =	shalt  }
0x60: {  	_ =	shalt  }
0x61: {  	_ =	shalt  }
0x62: {  	_ =	shalt  }
0x63: {  	_ =	shalt  }
0x64: {  	_ =	shalt  }
0x65: {  	_ =	shalt  }
0x66: {  	_ =	shalt  }
0x67: {  	_ =	shalt  }
0x68: {  	_ =	shalt  }
0x69: {  	_ =	shalt  }
0x6a: {  	_ =	shalt  }
0x6b: {  	_ =	shalt  }
0x6c: {  	_ =	shalt  }
0x6d: {  	_ =	shalt  }
0x6e: {  	_ =	shalt  }
0x6f: {  	_ =	shalt  }
0x70: {  	_ =	shalt  }
0x71: {  	_ =	shalt  }
0x72: {  	_ =	shalt  }
0x73: {  	_ =	shalt  }
0x74: {  	_ =	shalt  }
0x75: {  	_ =	shalt  }
0x76: {  	_ =	shalt  }
0x77: {  	_ =	shalt  }
0x78: {  	_ =	shalt  }
0x79: {  	_ =	shalt  }
0x7a: {  	_ =	shalt  }
0x7b: {  	_ =	shalt  }
0x7c: {  	_ =	shalt  }
0x7d: {  	_ =	shalt  }
0x7e: {  	_ =	shalt  }
0x7f: {  	_ =	shalt  }
0x80: {  	_ =	shalt  }
0x81: {  	_ =	shalt  }
0x82: {  	_ =	shalt  }
0x83: {  	_ =	shalt  }
0x84: {  	_ =	shalt  }
0x85: {  	_ =	shalt  }
0x86: {  	_ =	shalt  }
0x87: {  	_ =	shalt  }
.Lfunc_end0:
.L_simem_size_0:
called_computation.1_lowered:
.L_overlay_start_0:
0x88: {  	s2 =	sld [smem:$0x3FD9]  }
0x89: {  	s3 =	sld [smem:$0x3FFE];
	_ =	sdelay $0x1  }
0x8a: {  	s1 =	srdreg.scid  }
0x8b: {  	s0 =	sand.u32 $0x1, s1  }
0x8c: {  	s17 =	sshll.u32 s0, $0xA;
	s2 =	sadd.s32 s3, s2  }
0x8d: {  	s2 =	sadd.s32 s2, s17  }
0x8e: {  	[smem:$0x3FC2] =	sst s2  }
0x8f: {  	_ = 	snop  }
0x90: {  	s2 =	sld [smem:$0x3FC9];
	(tm) =	ssettm $0x1  }
0x91: {  	s18 =	sld [smem:$0x3FFB];
	_ =	sdelay $0x3  }
0x92: {  	_ =	strace s18  }
0x93: {  	s3 =	sld [smem:$0x3FFC];
	_ =	sdelay $0x3  }
0x94: {  	_ =	strace s3  }
0x95: {  	s3 =	sld [smem:$0x3FFD];
	_ =	sdelay $0x3  }
0x96: {  	_ =	strace s3  }
0x97: {  	_ =	strace $0x8FFFFFFF  }
0x98: {  	s19 =	sld [smem:$0x3FDB];
	_ =	sdelay $0x1  }
0x99: {  	s4 =	simm.s32 $_scs_section_size  }
0x9a: {  	s5 =	simm.s32 $_size__tile_overlayer_lowered;
	s6 =	simm.s32 $_tile_overlayer_lowered  }
0x9b: {  	s22 =	simm.s32 $0x1BFF;
	s21 =	sshll.u32 s6, $0x1;
	s3 =	sadd.s32 s4, s19  }
0x9c: {  	s7 =	simm.s32 $0x0;
	s20 =	sshll.u32 s5, $0x1;
	s5 =	sadd.s32 s21, s3  }
0x9d: {  	[timem:s7], [sflag:s22] =	dma.local [hbm:s5], s20  }
0x9e: {  	_ =	swait.ge [sflag:s22], s20  }
0x9f: {  	s4 =	ssub.s32 $0x0, s20;
	[sflag:s22] =	ssyncset.done $0x0  }
0xa0: {  	[sflag:s22] =	ssyncadd.s32 s4;
	_ =	sdelay $0x1  }
0xa1: {  	s23 =	simm.s32 $0x1B8B  }
0xa2: {  	_ =	swait.ge [sflag:s23], $0x1  }
0xa3: {  	[sflag:s23] =	ssyncset.done $0x0  }
0xa4: {  	s25 =	simm.s32 $0x1B8E;
	s24 =	sld [smem:$0x3FFE];
	[sflag:s23] =	ssyncadd.s32 $0xFFFFFFFF  }
0xa5: {  	s26 =	simm.s32 $execute0_lowered;
	[smem:$0x3FD2] =	sst s25  }
0xa6: {  	s5 =	sshll.u32 s26, $0x1;
	_ =	strace $0x80000046;
	[dreg:$0x1] =	wrdreg $0xFFFFFFFF  }
0xa7: {  	s28 =	simm.s32 $_size_execute0_lowered;
	s3 =	sadd.s32 s3, s5;
	[dreg:$0x0] =	wrdreg $0x0  }
0xa8: {  	s5 =	sshll.u32 s28, $0x1;
	[dreg:$0x2] =	wrdreg s3  }
0xa9: {  	[dreg:$0x3] =	wrdreg s5  }
0xaa: {  	[dreg:$0x4] =	wrdreg $0xC0  }
0xab: {  	_ =	task [dreg:s7], $0x5FFFF  }
0xac: {  	[dreg:$0x1] =	wrdreg $0xFFFFFFFF  }
0xad: {  	[dreg:$0x0] =	wrdreg $0x60  }
0xae: {  	[dreg:$0x2] =	wrdreg s24  }
0xaf: {  	[dreg:$0x3] =	wrdreg s2  }
0xb0: {  	[dreg:$0x4] =	wrdreg $0xA  }
0xb1: {  	_ =	task.clear_ibuf [dreg:s7], $0x5FFFF;
	_ =	strace $0x90000046  }
0xb2: {  	s29 =	simm.s32 $0xA;
	_ =	strace $0x80000048  }
0xb3: {  	_ =	swait.ge [sflag:s29], $0x1  }
0xb4: {  	[sflag:s29] =	ssyncadd.s32 $0xFFFFFFFF  }
0xb5: {  	_ =	strace $0x90000048  }
0xb6: {  	_ =	sfence  }
0xb7: {  	s30 =	sld [smem:$0x0];
	_ =	sdelay $0x2  }
0xb8: {  	s31 =	sshll.u32 s1, $0xD;
	s1 =	sshrl.u32 s1, $0x2  }
0xb9: {  	s3 =	sand.u32 $0x4000, s31;
	s1 =	sadd.s32 s1, s30  }
0xba: {  	s0 =	sor.u32 s3, s0;
	s1 =	sshll.u32 s1, $0x11  }
0xbb: {  	s0 =	sor.u32 s1, s0  }
0xbc: {  	s0 =	sadd.s32 $0x8F2B, s0  }
0xbd: {  	[sflag:s0] =	ssyncadd.remote.s32 $0x1  }
0xbe: {  	_ =	sfence.sel $0xFFFF  }
0xbf: {  	[dreg:$0x0] =	wrdreg $0xFFFFFFFF;
	(pc) =	sbr.abs _section_cstart, $3  }
0xc0: {  	[dreg:$0x1] =	wrdreg $0xFFFFFFFF  }
0xc1: {  	_ =	task.clear_ibuf [dreg:s7], $0x2FFFF;
	_ =	strace $0x9FFFFFFF  }
0xc2: {  	(tm) =	ssettm $0x7FFFFFFF  }
0xc3: {  	_ =	shalt  }
tec
execute0_lowered:
.L_overlay_start_1:
0x0: {  	(tag) =	ssettag $0x1  }
0x1: {  	s5 =	rddreg [dreg:$0x0]  }
0x2: {  	s4 =	rddreg [dreg:$0x1]  }
0x3: {  	s0 =	rddreg [dreg:$0x2]  }
0x4: {  	s3 =	srdreg.scid;
	s2 =	simm.s32 $0x0;
	s1 =	stileid.u32  }
0x5: {  	s10 =	simm.s32 $0x880;
	s11 =	simm.s32 $0x1080;
	s12 =	simm.s32 $0x1880  }
0x6: {  	s13 =	simm.s32 $0x2080;
	s14 =	simm.s32 $0x2880;
	s15 =	simm.s32 $0x3080  }
0x7: {  	s16 =	simm.s32 $0x3880;
	s17 =	simm.s32 $0x1;
	s6 =	sand.u32 $0x1, s3  }
0x8: {  	[smem:$0x7FF] =	sst s2;
	s31 =	sshll.u32 s1, $0x6;
	s7 =	sshll.u32 s6, $0x5  }
0x9: {  	s3 =	sadd.s32 $0x1E00, s5;
	s6 =	ssub.s32 $0x2, s6;
	s7 =	sor.u32 s7, s31  }
0xa: {  	_ =	strace $0x80000047;
	s9 =	sshrl.u32 s6, $0x1;
	s8 =	sshll.u32 s7, $0x6  }
0xb: {  	v2 =	vlaneseq.u32;
	s7 =	sshrl.u32 s7, $0x3;
	s9 =	ssub.s32 s6, s9;
	s8 =	sadd.s32 s8, s5  }
0xc: {  	vm0 =	vmmov $0xffff;
	v1 =	vshrl.u32 v2, $0x3;
	s4 =	sadd.s32 s4, s7;
	s5 =	sadd.s32 $0x1F00, s5;
	s7 =	smax.u32 s9, $0x1  }
0xd: {  	v0 =	vand.u32 $0x7, v2;
	v2 =	vor.u32 $0x8, v2;
	v1 =	vmul.u32 $0x8, v1;
	s9 =	simm.s32 $0x80;
	s6 =	sadd.s32 $0x61C600, s8;
	s8 =	simm.s32 $0x2  }
.LBB2_1:
0xe: {  	[tilespmem:s2], [sflag:$0x2] =	stream.linear.gather [hbm4b:s4+s2], $0x20, $0x38;
	[tilespmem:$0x4080] =	vst v63  }
0xf: {  	_ =	swait.ge [sflag:s8], $0x20  }
0x10: {  	[sflag:s8] =	ssyncset.done $0x0  }
0x11: {  	[sflag:s8] =	ssyncadd.s32 $0xFFFFFFE0  }
0x12: {  	v3 =	vld [tilespmem:$0x0];
	_ =	sdelay $0x4  }
0x13: {  	v4 =	vshll.u32 v3, $0x2  }
0x14: {  	v3 =	vand.u32 $0x7, v3;
	v4 =	vand.u32 $0xFFFFFFE0, v4  }
0x15: {  	v3 =	vor.u32 v3, v4  }
0x16: {  	v4 =	vperm.xlane v3, v0;
	_ =	sdelay $0x1  }
0x17: {  	v4 =	vadd.s32 v1, v4;
	_ =	sdelay $0x1  }
0x18: {  	v3 =	vperm.xlane v3, v2;
	_ =	sdelay $0x1  }
0x19: {  	v3 =	vadd.s32 v1, v3  }
0x1a: {  	[tilespmem:s9], [sflag:$0x1] =	stream.indirect_vreg.gather [hbm4b:s3+s2], $0x80, v4, vm0, $0xb8;
	[tilespmem:$0x4080] =	vst v63  }
0x1b: {  	_ = 	snop  }
0x1c: {  	[tilespmem:s10], [sflag:$0x1] =	stream.indirect_vreg.gather [hbm4b:s5+s2], $0x80, v4, vm0, $0xb8;
	[tilespmem:$0x4080] =	vst v63  }
0x1d: {  	_ = 	snop  }
0x1e: {  	[tilespmem:s11], [sflag:$0x1] =	stream.indirect_vreg.gather [hbm4b:s3+s2], $0x80, v3, vm0, $0xb8;
	[tilespmem:$0x4080] =	vst v63  }
0x1f: {  	_ = 	snop  }
0x20: {  	[tilespmem:s12], [sflag:$0x1] =	stream.indirect_vreg.gather [hbm4b:s5+s2], $0x80, v3, vm0, $0xb8;
	[tilespmem:$0x4080] =	vst v63  }
0x21: {  	v3 =	vld [tilespmem:$0x10];
	_ =	sdelay $0x4  }
0x22: {  	v63 =	vshll.u32 v3, $0x2  }
0x23: {  	v3 =	vand.u32 $0x7, v3;
	v4 =	vand.u32 $0xFFFFFFE0, v63  }
0x24: {  	v3 =	vor.u32 v3, v4  }
0x25: {  	v4 =	vperm.xlane v3, v0;
	_ =	sdelay $0x1  }
0x26: {  	v4 =	vadd.s32 v1, v4;
	_ =	sdelay $0x1  }
0x27: {  	v3 =	vperm.xlane v3, v2;
	_ =	sdelay $0x1  }
0x28: {  	v3 =	vadd.s32 v1, v3  }
0x29: {  	[tilespmem:s13], [sflag:$0x1] =	stream.indirect_vreg.gather [hbm4b:s3+s2], $0x80, v4, vm0, $0xb8;
	[tilespmem:$0x4080] =	vst v63  }
0x2a: {  	_ = 	snop  }
0x2b: {  	[tilespmem:s14], [sflag:$0x1] =	stream.indirect_vreg.gather [hbm4b:s5+s2], $0x80, v4, vm0, $0xb8;
	[tilespmem:$0x4080] =	vst v63  }
0x2c: {  	_ = 	snop  }
0x2d: {  	[tilespmem:s15], [sflag:$0x1] =	stream.indirect_vreg.gather [hbm4b:s3+s2], $0x80, v3, vm0, $0xb8;
	[tilespmem:$0x4080] =	vst v63  }
0x2e: {  	_ = 	snop  }
0x2f: {  	[tilespmem:s16], [sflag:$0x1] =	stream.indirect_vreg.gather [hbm4b:s5+s2], $0x80, v3, vm0, $0xb8;
	[tilespmem:$0x4080] =	vst v63  }
0x30: {  	_ =	swait.ge [sflag:s17], $0x4000  }
0x31: {  	p0 =	sne.s32 s7, $0x1;
	[sflag:s17] =	ssyncset.done $0x0  }
.Ltmp0:
0x32: {  	[sflag:s17] =	ssyncadd.s32 $0xFFFFC000;
	(pc) =	sbr.rel @p0 .LBB2_1-.Ltmp0, $4  }
0x33: {  	[hbm4b:s6+s2] =	stream.linear.scatter [tilespmem:s9], [sflag:$0x2], $0x4000, $0x38;
	[tilespmem:$0x4080] =	vst v63  }
0x34: {  	_ =	swait.ge [sflag:s8], $0x4000  }
0x35: {  	[sflag:s8] =	ssyncset.done $0x0  }
0x36: {  	s7 =	sadd.s32 $0xFFFFFFFF, s7;
	[sflag:s8] =	ssyncadd.s32 $0xFFFFC000  }
0x37: {  	_ =	sfence.sel $0x180000  }
0x38: {  	[bflag:$0x0] =	sbarrier.arrive $0xFFFF  }
0x39: {  	p0 =	sne.s32 s1, $0x0;
	_ =	strace $0x90000047  }
0x3a: {  	s0 =	sadd.s32 @!p0 $0x100000, s0;
	[bflag:$0x2] =	sbarrier.arrive $0xFFFF  }
0x3b: {  	[sflag:s0] =	ssyncadd.tile.s32 @!p0 $0x1;
	_ =	shalt  }
.Lfunc_end2:
_tile_overlayer_lowered:
.L_overlay_start_2:
0x3c: {  	(tag) =	ssettag $0x2  }
0x3d: {  	s0 =	rddreg [dreg:$0x0];
	s2 =	stileid.u32  }
0x3e: {  	s1 =	rddreg [dreg:$0x1];
	p0 =	sne.s32 s2, $0x0  }
0x3f: {  	s3 =	rddreg [dreg:$0x2];
	[bflag:$0x3] =	sbarrier.arrive $0xFFFF;
	s2 =	simm.s32 @!p0 $0x1C02  }
0x40: {  	[timem:s3], [sflag:s2] =	dma.local @!p0 [hbm:s0], s1  }
0x41: {  	s0 =	simm.s32 @!p0 $0x2  }
0x42: {  	_ =	swait.ge @!p0 [sflag:s0], s1  }
0x43: {  	s1 =	ssub.s32 @!p0 $0x0, s1;
	[sflag:s0] =	ssyncset.done @!p0 $0x0  }
0x44: {  	[sflag:s0] =	ssyncadd.s32 @!p0 s1  }
0x45: {  	[bflag:$0x3] =	sbarrier.arrive $0xFFFF  }
0x46: {  	_ =	shalt  }

</sc_bundles>
